<compile_context>
chip_gen: v7x
topology: tpu7x:2x2x1
jax: 0.10.2.dev20260603
libtpu: 0.0.44.dev20260713+nightly
codegen_flags: <defaults>
</compile_context>

<pallas_src>
import functools

import jax
import jax.numpy as jnp
from jax import lax
from jax.experimental import pallas as pl
from jax.experimental.pallas import tpu as pltpu
from jax.experimental.pallas import tpu_sc as plsc

DIM = 128
SEQ = 200
CHUNK = 128
LANES = 16
NE = DIM // LANES


def _newton_rsqrt(x):
    xi = lax.bitcast_convert_type(x, jnp.int32)
    yi = jnp.int32(0x5F3759DF) - (xi >> 1)
    y = lax.bitcast_convert_type(yi, jnp.float32)
    hx = x * 0.5
    for _ in range(3):
        y = y * (1.5 - hx * y * y)
    return y


def kernel(token_id, tok_table, pos_table, gamma, beta):
    B, S = token_id.shape
    V, D = tok_table.shape
    N = B * S
    idx_flat = token_id.reshape(N).astype(jnp.int32)

    info = plsc.get_sparse_core_info()
    NC, NS = info.num_cores, info.num_subcores
    NW = NC * NS
    rows_per_w = N // NW
    chunks_per_w = rows_per_w // CHUNK

    mesh = plsc.VectorSubcoreMesh(core_axis_name="c", subcore_axis_name="s")

    @functools.partial(
        pl.kernel,
        out_type=jax.ShapeDtypeStruct((N, D), jnp.float32),
        mesh=mesh,
        scratch_types=[
            pltpu.VMEM((rows_per_w,), jnp.int32),
            pltpu.VMEM((SEQ, D), jnp.float32),
            pltpu.VMEM((CHUNK, D), jnp.float32),
            pltpu.VMEM((CHUNK, D), jnp.float32),
            pltpu.VMEM((D,), jnp.float32),
            pltpu.VMEM((D,), jnp.float32),
            pltpu.SemaphoreType.DMA,
            pltpu.SemaphoreType.DMA,
            pltpu.SemaphoreType.DMA,
            pltpu.SemaphoreType.DMA,
        ],
        compiler_params=pltpu.CompilerParams(needs_layout_passes=False),
    )
    def run(tok_hbm, idx_hbm, pos_hbm, g_hbm, b_hbm, out_hbm,
            idx_v, pos_v, rows0, rows1, g_v, b_v,
            gsem0, gsem1, ssem0, ssem1):
        wid = lax.axis_index("s") * NC + lax.axis_index("c")
        pltpu.sync_copy(idx_hbm.at[pl.ds(wid * rows_per_w, rows_per_w)],
                        idx_v)
        pltpu.sync_copy(pos_hbm.at[pl.ds(0, SEQ), :], pos_v)
        pltpu.sync_copy(g_hbm, g_v)
        pltpu.sync_copy(b_hbm, b_v)
        gvs = [g_v[pl.ds(LANES * e, LANES)] for e in range(NE)]
        bvs = [b_v[pl.ds(LANES * e, LANES)] for e in range(NE)]

        bufs = (rows0, rows1)
        gsems = (gsem0, gsem1)
        ssems = (ssem0, ssem1)
        out_base = wid * rows_per_w

        def gather_start(g, b):
            pltpu.async_copy(
                tok_hbm.at[idx_v.at[pl.ds(g * CHUNK, CHUNK)]], bufs[b],
                gsems[b])

        def gather_wait(b):
            pltpu.make_async_copy(
                tok_hbm.at[pl.ds(0, CHUNK), :], bufs[b], gsems[b]).wait()

        def store_start(g, b):
            pltpu.async_copy(
                bufs[b], out_hbm.at[pl.ds(out_base + g * CHUNK, CHUNK), :],
                ssems[b])

        def store_wait(b):
            pltpu.make_async_copy(
                bufs[b], out_hbm.at[pl.ds(0, CHUNK), :], ssems[b]).wait()

        def compute_chunk(g, rows):
            pos_base = lax.rem(g * CHUNK, SEQ)

            def one_row(r):
                p = lax.rem(pos_base + r, SEQ)
                vs = [rows[r, pl.ds(LANES * e, LANES)]
                      + pos_v[p, pl.ds(LANES * e, LANES)]
                      for e in range(NE)]
                s = vs[0]
                for e in range(1, NE):
                    s = s + vs[e]
                q = vs[0] * vs[0]
                for e in range(1, NE):
                    q = q + vs[e] * vs[e]
                mean = jnp.sum(s) * (1.0 / D)
                ex2 = jnp.sum(q) * (1.0 / D)
                var = ex2 - mean * mean
                rstd = _newton_rsqrt(var + 1e-5)
                for e in range(NE):
                    rows[r, pl.ds(LANES * e, LANES)] = (
                        (vs[e] - mean) * rstd * gvs[e] + bvs[e])

            @plsc.parallel_loop(0, CHUNK, step=1, unroll=2)
            def _row_loop(r):
                one_row(r)

        gather_start(0, 0)

        def pair_body(gp, _):
            for b in range(2):
                g = gp * 2 + b
                @pl.when(g >= 1)
                def _():
                    store_wait(1 - b)

                @pl.when(g + 1 < chunks_per_w)
                def _():
                    gather_start(g + 1, 1 - b)

                gather_wait(b)
                compute_chunk(g, bufs[b])
                store_start(g, b)
            return 0

        lax.fori_loop(0, chunks_per_w // 2, pair_body, 0)
        store_wait((chunks_per_w - 1) % 2)

    out = run(tok_table, idx_flat, pos_table, gamma, beta)
    return out.reshape(B, S, D)

# --- scband reference (transcript-rebuilt; emitter-appended) ---
"""Pipeline reference for scband-bertembedding-51092930953404 (READ-ONLY COPY).

The authoritative reference and input builder live on the scoring server;
editing this copy changes nothing except your own understanding.
"""

import jax, jax.numpy as jnp
import numpy as np

VOCAB = 100000
MAX_LEN = 512
PAD_ID = 0
DIM = 128
B = 1024
SEQ = 200


def setup_inputs(seed: int = 0) -> dict:
    key = jax.random.key(seed)
    k1, k2, k3 = jax.random.split(key, 3)
    token_id = jax.random.randint(k1, (B, SEQ), 0, VOCAB)
    tok_table = jax.random.normal(k2, (VOCAB, DIM), dtype=jnp.float32)
    tok_table = tok_table.at[PAD_ID].set(0.0)  # padding_idx row is zero
    pos_table = jax.random.normal(k3, (MAX_LEN, DIM), dtype=jnp.float32)
    gamma = jnp.ones((DIM,), dtype=jnp.float32)
    beta = jnp.zeros((DIM,), dtype=jnp.float32)
    return {"token_id": token_id, "tok_table": tok_table, "pos_table": pos_table, "gamma": gamma, "beta": beta}


def reference(token_id, tok_table, pos_table, gamma, beta):
    b, seq_len = token_id.shape
    # token embedding gather
    x = jnp.take(tok_table, token_id, axis=0)
    # position embedding gather (positions 0..seq_len-1, broadcast over batch)
    pos = jnp.arange(seq_len, dtype=jnp.int32)
    x = x + jnp.take(pos_table, pos, axis=0)[None, :, :]
    # LayerNorm over last dim (eps=1e-5, matching torch default)
    mean = jnp.mean(x, axis=-1, keepdims=True)
    var = jnp.var(x, axis=-1, keepdims=True)
    x = (x - mean) / jnp.sqrt(var + 1e-5) * gamma + beta
    # dropout is identity in eval mode
    return x

if __name__ == "__main__":
    import jax
    _d = setup_inputs()
    print(jax.jit(kernel)(*tuple(_d.values())))

</pallas_src>

<mosaic_0001>
#map = affine_map<(d0, d1) -> (0, 0)>
#map1 = affine_map<(d0, d1) -> (0)>
module attributes {stable_mosaic.version = 14 : i64} {
  func.func @run(%arg0: i32, %arg1: i32, %arg2: memref<100000x128xf32, #tpu.memory_space<hbm>>, %arg3: memref<204800xi32, #tpu.memory_space<hbm>>, %arg4: memref<512x128xf32, #tpu.memory_space<hbm>>, %arg5: memref<128xf32, #tpu.memory_space<hbm>>, %arg6: memref<128xf32, #tpu.memory_space<hbm>>, %arg7: memref<204800x128xf32, #tpu.memory_space<hbm>>, %arg8: memref<6400xi32, #tpu.memory_space<vmem>>, %arg9: memref<200x128xf32, #tpu.memory_space<vmem>>, %arg10: memref<128x128xf32, #tpu.memory_space<vmem>>, %arg11: memref<128x128xf32, #tpu.memory_space<vmem>>, %arg12: memref<128xf32, #tpu.memory_space<vmem>>, %arg13: memref<128xf32, #tpu.memory_space<vmem>>, %arg14: memref<!tpu.dma_semaphore, #tpu.memory_space<semaphore_mem>>, %arg15: memref<!tpu.dma_semaphore, #tpu.memory_space<semaphore_mem>>, %arg16: memref<!tpu.dma_semaphore, #tpu.memory_space<semaphore_mem>>, %arg17: memref<!tpu.dma_semaphore, #tpu.memory_space<semaphore_mem>>) attributes {dimension_semantics = [#tpu.dimension_semantics<core_parallel>, #tpu.dimension_semantics<subcore_parallel>], iteration_bounds = array<i64: 2, 16>, scalar_prefetch = 0 : i64, scratch_operands = 10 : i64, tpu.core_type = #tpu.core_type<sc_vector_subcore>, window_params = [{transform_indices = #map}, {transform_indices = #map1}, {transform_indices = #map}, {transform_indices = #map1}, {transform_indices = #map1}, {transform_indices = #map}]} {
    %mul3A = arith.constant 2 : i32
    %mul3A_0 = arith.muli %arg1, %mul3A : i32
    %add3A = arith.addi %mul3A_0, %arg0 : i32
    %mul3A_1 = arith.constant 6400 : i32
    %mul3A_2 = arith.muli %add3A, %mul3A_1 : i32
    "tpu.region"() ({
      %run_scoped3A = tpu.sem_alloc : memref<!tpu.dma_semaphore, #tpu.memory_space<semaphore_mem>>
      %dma_start3A_51 = tpu.memref_slice %arg3[%mul3A_2] : memref<204800xi32, #tpu.memory_space<hbm>> -> memref<6400xi32, #tpu.memory_space<hbm>>
      %dma_start3A_52 = tpu.memref_slice %arg3[%mul3A_2] : memref<204800xi32, #tpu.memory_space<hbm>> -> memref<6400xi32, #tpu.memory_space<hbm>>
      tpu.enqueue_dma source(%dma_start3A_52 : memref<6400xi32, #tpu.memory_space<hbm>>) target(%arg8 : memref<6400xi32, #tpu.memory_space<vmem>>) target_semaphore(%run_scoped3A : memref<!tpu.dma_semaphore, #tpu.memory_space<semaphore_mem>>)
      %dma_wait3A_53 = tpu.memref_slice %arg3[%mul3A_2] : memref<204800xi32, #tpu.memory_space<hbm>> -> memref<6400xi32, #tpu.memory_space<hbm>>
      %dma_wait3A_54 = tpu.memref_slice %arg3[%mul3A_2] : memref<204800xi32, #tpu.memory_space<hbm>> -> memref<6400xi32, #tpu.memory_space<hbm>>
      tpu.wait_dma2 semaphore(%run_scoped3A : memref<!tpu.dma_semaphore, #tpu.memory_space<semaphore_mem>>) src(%dma_wait3A_54 : memref<6400xi32, #tpu.memory_space<hbm>>) dst(%arg8 : memref<6400xi32, #tpu.memory_space<vmem>>)
      tpu.yield
    }) : () -> ()
    "tpu.region"() ({
      %run_scoped3A = tpu.sem_alloc : memref<!tpu.dma_semaphore, #tpu.memory_space<semaphore_mem>>
      %dma_start3A_51 = arith.constant 0 : i32
      %dma_start3A_52 = arith.constant 0 : i32
      %dma_start3A_53 = tpu.memref_slice %arg4[%dma_start3A_51, %dma_start3A_52] : memref<512x128xf32, #tpu.memory_space<hbm>> -> memref<200x128xf32, #tpu.memory_space<hbm>>
      %dma_start3A_54 = arith.constant 0 : i32
      %dma_start3A_55 = arith.constant 0 : i32
      %dma_start3A_56 = tpu.memref_slice %arg4[%dma_start3A_54, %dma_start3A_55] : memref<512x128xf32, #tpu.memory_space<hbm>> -> memref<200x128xf32, #tpu.memory_space<hbm>>
      tpu.enqueue_dma source(%dma_start3A_56 : memref<200x128xf32, #tpu.memory_space<hbm>>) target(%arg9 : memref<200x128xf32, #tpu.memory_space<vmem>>) target_semaphore(%run_scoped3A : memref<!tpu.dma_semaphore, #tpu.memory_space<semaphore_mem>>)
      %dma_wait3A_57 = arith.constant 0 : i32
      %dma_wait3A_58 = arith.constant 0 : i32
      %dma_wait3A_59 = tpu.memref_slice %arg4[%dma_wait3A_57, %dma_wait3A_58] : memref<512x128xf32, #tpu.memory_space<hbm>> -> memref<200x128xf32, #tpu.memory_space<hbm>>
      %dma_wait3A_60 = arith.constant 0 : i32
      %dma_wait3A_61 = arith.constant 0 : i32
      %dma_wait3A_62 = tpu.memref_slice %arg4[%dma_wait3A_60, %dma_wait3A_61] : memref<512x128xf32, #tpu.memory_space<hbm>> -> memref<200x128xf32, #tpu.memory_space<hbm>>
      tpu.wait_dma2 semaphore(%run_scoped3A : memref<!tpu.dma_semaphore, #tpu.memory_space<semaphore_mem>>) src(%dma_wait3A_62 : memref<200x128xf32, #tpu.memory_space<hbm>>) dst(%arg9 : memref<200x128xf32, #tpu.memory_space<vmem>>)
      tpu.yield
    }) : () -> ()
    "tpu.region"() ({
      %run_scoped3A = tpu.sem_alloc : memref<!tpu.dma_semaphore, #tpu.memory_space<semaphore_mem>>
      tpu.enqueue_dma source(%arg5 : memref<128xf32, #tpu.memory_space<hbm>>) target(%arg12 : memref<128xf32, #tpu.memory_space<vmem>>) target_semaphore(%run_scoped3A : memref<!tpu.dma_semaphore, #tpu.memory_space<semaphore_mem>>)
      tpu.wait_dma2 semaphore(%run_scoped3A : memref<!tpu.dma_semaphore, #tpu.memory_space<semaphore_mem>>) src(%arg5 : memref<128xf32, #tpu.memory_space<hbm>>) dst(%arg12 : memref<128xf32, #tpu.memory_space<vmem>>)
      tpu.yield
    }) : () -> ()
    "tpu.region"() ({
      %run_scoped3A = tpu.sem_alloc : memref<!tpu.dma_semaphore, #tpu.memory_space<semaphore_mem>>
      tpu.enqueue_dma source(%arg6 : memref<128xf32, #tpu.memory_space<hbm>>) target(%arg13 : memref<128xf32, #tpu.memory_space<vmem>>) target_semaphore(%run_scoped3A : memref<!tpu.dma_semaphore, #tpu.memory_space<semaphore_mem>>)
      tpu.wait_dma2 semaphore(%run_scoped3A : memref<!tpu.dma_semaphore, #tpu.memory_space<semaphore_mem>>) src(%arg6 : memref<128xf32, #tpu.memory_space<hbm>>) dst(%arg13 : memref<128xf32, #tpu.memory_space<vmem>>)
      tpu.yield
    }) : () -> ()
    %get3A = arith.constant 0 : index
    %get3A_3 = tpu.vector_load %arg12[%get3A] {strides = array<i32>} : memref<128xf32, #tpu.memory_space<vmem>>, vector<16xf32>,
    %get3A_4 = arith.constant 16 : index
    %get3A_5 = tpu.vector_load %arg12[%get3A_4] {strides = array<i32>} : memref<128xf32, #tpu.memory_space<vmem>>, vector<16xf32>,
    %get3A_6 = arith.constant 32 : index
    %get3A_7 = tpu.vector_load %arg12[%get3A_6] {strides = array<i32>} : memref<128xf32, #tpu.memory_space<vmem>>, vector<16xf32>,
    %get3A_8 = arith.constant 48 : index
    %get3A_9 = tpu.vector_load %arg12[%get3A_8] {strides = array<i32>} : memref<128xf32, #tpu.memory_space<vmem>>, vector<16xf32>,
    %get3A_10 = arith.constant 64 : index
    %get3A_11 = tpu.vector_load %arg12[%get3A_10] {strides = array<i32>} : memref<128xf32, #tpu.memory_space<vmem>>, vector<16xf32>,
    %get3A_12 = arith.constant 80 : index
    %get3A_13 = tpu.vector_load %arg12[%get3A_12] {strides = array<i32>} : memref<128xf32, #tpu.memory_space<vmem>>, vector<16xf32>,
    %get3A_14 = arith.constant 96 : index
    %get3A_15 = tpu.vector_load %arg12[%get3A_14] {strides = array<i32>} : memref<128xf32, #tpu.memory_space<vmem>>, vector<16xf32>,
    %get3A_16 = arith.constant 112 : index
    %get3A_17 = tpu.vector_load %arg12[%get3A_16] {strides = array<i32>} : memref<128xf32, #tpu.memory_space<vmem>>, vector<16xf32>,
    %get3A_18 = arith.constant 0 : index
    %get3A_19 = tpu.vector_load %arg13[%get3A_18] {strides = array<i32>} : memref<128xf32, #tpu.memory_space<vmem>>, vector<16xf32>,
    %get3A_20 = arith.constant 16 : index
    %get3A_21 = tpu.vector_load %arg13[%get3A_20] {strides = array<i32>} : memref<128xf32, #tpu.memory_space<vmem>>, vector<16xf32>,
    %get3A_22 = arith.constant 32 : index
    %get3A_23 = tpu.vector_load %arg13[%get3A_22] {strides = array<i32>} : memref<128xf32, #tpu.memory_space<vmem>>, vector<16xf32>,
    %get3A_24 = arith.constant 48 : index
    %get3A_25 = tpu.vector_load %arg13[%get3A_24] {strides = array<i32>} : memref<128xf32, #tpu.memory_space<vmem>>, vector<16xf32>,
    %get3A_26 = arith.constant 64 : index
    %get3A_27 = tpu.vector_load %arg13[%get3A_26] {strides = array<i32>} : memref<128xf32, #tpu.memory_space<vmem>>, vector<16xf32>,
    %get3A_28 = arith.constant 80 : index
    %get3A_29 = tpu.vector_load %arg13[%get3A_28] {strides = array<i32>} : memref<128xf32, #tpu.memory_space<vmem>>, vector<16xf32>,
    %get3A_30 = arith.constant 96 : index
    %get3A_31 = tpu.vector_load %arg13[%get3A_30] {strides = array<i32>} : memref<128xf32, #tpu.memory_space<vmem>>, vector<16xf32>,
    %get3A_32 = arith.constant 112 : index
    %get3A_33 = tpu.vector_load %arg13[%get3A_32] {strides = array<i32>} : memref<128xf32, #tpu.memory_space<vmem>>, vector<16xf32>,
    %mul3A_34 = arith.constant 6400 : i32
    %mul3A_35 = arith.muli %add3A, %mul3A_34 : i32
    %dma_start3A = arith.constant 0 : i32
    %dma_start3A_36 = tpu.memref_slice %arg8[%dma_start3A] : memref<6400xi32, #tpu.memory_space<vmem>> -> memref<128xi32, #tpu.memory_space<vmem>>
    %dma_start3A_37 = arith.constant 0 : i32
    %dma_start3A_38 = arith.constant 0 : i32
    %dma_start3A_39 = tpu.memref_slice %arg2[%dma_start3A_37, %dma_start3A_38] : memref<100000x128xf32, #tpu.memory_space<hbm>> -> memref<100000x128xf32, #tpu.memory_space<hbm>>
    tpu.enqueue_indirect_dma source(%dma_start3A_39 : memref<100000x128xf32, #tpu.memory_space<hbm>>) target(%arg10 : memref<128x128xf32, #tpu.memory_space<vmem>>) offsets(%dma_start3A_36 : memref<128xi32, #tpu.memory_space<vmem>>) semaphore(%arg14 : memref<!tpu.dma_semaphore, #tpu.memory_space<semaphore_mem>>)
    %scan3A = arith.constant 0 : i32
    %scan3A_40 = arith.constant 0 : i32
    %scan3A_41 = arith.constant 25 : i32
    %scan3A_42 = arith.addi %scan3A_40, %scan3A_41 : i32
    %scan3A_43 = arith.constant 1 : i32
    %scan3A_44 = scf.for %scan3A_51 = %scan3A_40 to %scan3A_42 step %scan3A_43 iter_args(%scan3A_52 = %scan3A) -> (i32)  : i32 {
      %mul3A_53 = arith.constant 2 : i32
      %mul3A_54 = arith.muli %scan3A_51, %mul3A_53 : i32
      %add3A_55 = arith.constant 0 : i32
      %add3A_56 = arith.addi %mul3A_54, %add3A_55 : i32
      %ge3A = arith.constant 1 : i32
      %ge3A_57 = arith.cmpi sge, %add3A_56, %ge3A : i32
      %convert_element_type3A = arith.extui %ge3A_57 : i1 to i32
      %cond3A = arith.constant 0 : i32
      %cond3A_58 = arith.cmpi ne, %convert_element_type3A, %cond3A : i32
      scf.if %cond3A_58 {
        %dma_wait3A_120 = arith.constant 0 : i32
        %dma_wait3A_121 = arith.constant 0 : i32
        %dma_wait3A_122 = tpu.memref_slice %arg7[%dma_wait3A_120, %dma_wait3A_121] : memref<204800x128xf32, #tpu.memory_space<hbm>> -> memref<128x128xf32, #tpu.memory_space<hbm>>
        %dma_wait3A_123 = arith.constant 0 : i32
        %dma_wait3A_124 = arith.constant 0 : i32
        %dma_wait3A_125 = tpu.memref_slice %arg7[%dma_wait3A_123, %dma_wait3A_124] : memref<204800x128xf32, #tpu.memory_space<hbm>> -> memref<128x128xf32, #tpu.memory_space<hbm>>
        tpu.wait_dma2 semaphore(%arg17 : memref<!tpu.dma_semaphore, #tpu.memory_space<semaphore_mem>>) src(%arg11 : memref<128x128xf32, #tpu.memory_space<vmem>>) dst(%dma_wait3A_125 : memref<128x128xf32, #tpu.memory_space<hbm>>)
      } else {
      }
      %add3A_59 = arith.constant 1 : i32
      %add3A_60 = arith.addi %add3A_56, %add3A_59 : i32
      %lt3A = arith.constant 50 : i32
      %lt3A_61 = arith.cmpi slt, %add3A_60, %lt3A : i32
      %convert_element_type3A_62 = arith.extui %lt3A_61 : i1 to i32
      %cond3A_63 = arith.constant 0 : i32
      %cond3A_64 = arith.cmpi ne, %convert_element_type3A_62, %cond3A_63 : i32
      scf.if %cond3A_64 {
        %add3A_120 = arith.constant 1 : i32
        %add3A_121 = arith.addi %add3A_56, %add3A_120 : i32
        %mul3A_122 = arith.constant 128 : i32
        %mul3A_123 = arith.muli %add3A_121, %mul3A_122 : i32
        %dma_start3A_124 = tpu.memref_slice %arg8[%mul3A_123] : memref<6400xi32, #tpu.memory_space<vmem>> -> memref<128xi32, #tpu.memory_space<vmem>>
        %dma_start3A_125 = arith.constant 0 : i32
        %dma_start3A_126 = arith.constant 0 : i32
        %dma_start3A_127 = tpu.memref_slice %arg2[%dma_start3A_125, %dma_start3A_126] : memref<100000x128xf32, #tpu.memory_space<hbm>> -> memref<100000x128xf32, #tpu.memory_space<hbm>>
        tpu.enqueue_indirect_dma source(%dma_start3A_127 : memref<100000x128xf32, #tpu.memory_space<hbm>>) target(%arg11 : memref<128x128xf32, #tpu.memory_space<vmem>>) offsets(%dma_start3A_124 : memref<128xi32, #tpu.memory_space<vmem>>) semaphore(%arg15 : memref<!tpu.dma_semaphore, #tpu.memory_space<semaphore_mem>>)
      } else {
      }
      %dma_wait3A_65 = arith.constant 0 : i32
      %dma_wait3A_66 = arith.constant 0 : i32
      %dma_wait3A_67 = tpu.memref_slice %arg2[%dma_wait3A_65, %dma_wait3A_66] : memref<100000x128xf32, #tpu.memory_space<hbm>> -> memref<128x128xf32, #tpu.memory_space<hbm>>
      %dma_wait3A_68 = arith.constant 0 : i32
      %dma_wait3A_69 = arith.constant 0 : i32
      %dma_wait3A_70 = tpu.memref_slice %arg2[%dma_wait3A_68, %dma_wait3A_69] : memref<100000x128xf32, #tpu.memory_space<hbm>> -> memref<128x128xf32, #tpu.memory_space<hbm>>
      tpu.wait_dma2 semaphore(%arg14 : memref<!tpu.dma_semaphore, #tpu.memory_space<semaphore_mem>>) src(%dma_wait3A_70 : memref<128x128xf32, #tpu.memory_space<hbm>>) dst(%arg10 : memref<128x128xf32, #tpu.memory_space<vmem>>)
      %mul3A_71 = arith.constant 128 : i32
      %mul3A_72 = arith.muli %add3A_56, %mul3A_71 : i32
      %rem3A = arith.constant 200 : i32
      %rem3A_73 = arith.remsi %mul3A_72, %rem3A : i32
      %parallel_loop3A = arith.constant 0 : i32
      %parallel_loop3A_74 = arith.constant 128 : i32
      %parallel_loop3A_75 = arith.constant 1 : i32
      scf.for %parallel_loop3A_120 = %parallel_loop3A to %parallel_loop3A_74 step %parallel_loop3A_75  : i32 {
        %parallel_loop3A_121 = arith.addi %rem3A_73, %parallel_loop3A_120 : i32
        %parallel_loop3A_122 = arith.constant 200 : i32
        %parallel_loop3A_123 = arith.remsi %parallel_loop3A_121, %parallel_loop3A_122 : i32
        %parallel_loop3A_124 = arith.index_cast %parallel_loop3A_120 : i32 to index
        %parallel_loop3A_125 = arith.constant 0 : index
        %parallel_loop3A_126 = tpu.vector_load %arg10[%parallel_loop3A_124, %parallel_loop3A_125] {strides = array<i32>} : memref<128x128xf32, #tpu.memory_space<vmem>>, vector<16xf32>,
        %parallel_loop3A_127 = arith.index_cast %parallel_loop3A_123 : i32 to index
        %parallel_loop3A_128 = arith.constant 0 : index
        %parallel_loop3A_129 = tpu.vector_load %arg9[%parallel_loop3A_127, %parallel_loop3A_128] {strides = array<i32>} : memref<200x128xf32, #tpu.memory_space<vmem>>, vector<16xf32>,
        %parallel_loop3A_130 = arith.addf %parallel_loop3A_126, %parallel_loop3A_129 : vector<16xf32>
        %parallel_loop3A_131 = arith.index_cast %parallel_loop3A_120 : i32 to index
        %parallel_loop3A_132 = arith.constant 16 : index
        %parallel_loop3A_133 = tpu.vector_load %arg10[%parallel_loop3A_131, %parallel_loop3A_132] {strides = array<i32>} : memref<128x128xf32, #tpu.memory_space<vmem>>, vector<16xf32>,
        %parallel_loop3A_134 = arith.index_cast %parallel_loop3A_123 : i32 to index
        %parallel_loop3A_135 = arith.constant 16 : index
        %parallel_loop3A_136 = tpu.vector_load %arg9[%parallel_loop3A_134, %parallel_loop3A_135] {strides = array<i32>} : memref<200x128xf32, #tpu.memory_space<vmem>>, vector<16xf32>,
        %parallel_loop3A_137 = arith.addf %parallel_loop3A_133, %parallel_loop3A_136 : vector<16xf32>
        %parallel_loop3A_138 = arith.index_cast %parallel_loop3A_120 : i32 to index
        %parallel_loop3A_139 = arith.constant 32 : index
        %parallel_loop3A_140 = tpu.vector_load %arg10[%parallel_loop3A_138, %parallel_loop3A_139] {strides = array<i32>} : memref<128x128xf32, #tpu.memory_space<vmem>>, vector<16xf32>,
        %parallel_loop3A_141 = arith.index_cast %parallel_loop3A_123 : i32 to index
        %parallel_loop3A_142 = arith.constant 32 : index
        %parallel_loop3A_143 = tpu.vector_load %arg9[%parallel_loop3A_141, %parallel_loop3A_142] {strides = array<i32>} : memref<200x128xf32, #tpu.memory_space<vmem>>, vector<16xf32>,
        %parallel_loop3A_144 = arith.addf %parallel_loop3A_140, %parallel_loop3A_143 : vector<16xf32>
        %parallel_loop3A_145 = arith.index_cast %parallel_loop3A_120 : i32 to index
        %parallel_loop3A_146 = arith.constant 48 : index
        %parallel_loop3A_147 = tpu.vector_load %arg10[%parallel_loop3A_145, %parallel_loop3A_146] {strides = array<i32>} : memref<128x128xf32, #tpu.memory_space<vmem>>, vector<16xf32>,
        %parallel_loop3A_148 = arith.index_cast %parallel_loop3A_123 : i32 to index
        %parallel_loop3A_149 = arith.constant 48 : index
        %parallel_loop3A_150 = tpu.vector_load %arg9[%parallel_loop3A_148, %parallel_loop3A_149] {strides = array<i32>} : memref<200x128xf32, #tpu.memory_space<vmem>>, vector<16xf32>,
        %parallel_loop3A_151 = arith.addf %parallel_loop3A_147, %parallel_loop3A_150 : vector<16xf32>
        %parallel_loop3A_152 = arith.index_cast %parallel_loop3A_120 : i32 to index
        %parallel_loop3A_153 = arith.constant 64 : index
        %parallel_loop3A_154 = tpu.vector_load %arg10[%parallel_loop3A_152, %parallel_loop3A_153] {strides = array<i32>} : memref<128x128xf32, #tpu.memory_space<vmem>>, vector<16xf32>,
        %parallel_loop3A_155 = arith.index_cast %parallel_loop3A_123 : i32 to index
        %parallel_loop3A_156 = arith.constant 64 : index
        %parallel_loop3A_157 = tpu.vector_load %arg9[%parallel_loop3A_155, %parallel_loop3A_156] {strides = array<i32>} : memref<200x128xf32, #tpu.memory_space<vmem>>, vector<16xf32>,
        %parallel_loop3A_158 = arith.addf %parallel_loop3A_154, %parallel_loop3A_157 : vector<16xf32>
        %parallel_loop3A_159 = arith.index_cast %parallel_loop3A_120 : i32 to index
        %parallel_loop3A_160 = arith.constant 80 : index
        %parallel_loop3A_161 = tpu.vector_load %arg10[%parallel_loop3A_159, %parallel_loop3A_160] {strides = array<i32>} : memref<128x128xf32, #tpu.memory_space<vmem>>, vector<16xf32>,
        %parallel_loop3A_162 = arith.index_cast %parallel_loop3A_123 : i32 to index
        %parallel_loop3A_163 = arith.constant 80 : index
        %parallel_loop3A_164 = tpu.vector_load %arg9[%parallel_loop3A_162, %parallel_loop3A_163] {strides = array<i32>} : memref<200x128xf32, #tpu.memory_space<vmem>>, vector<16xf32>,
        %parallel_loop3A_165 = arith.addf %parallel_loop3A_161, %parallel_loop3A_164 : vector<16xf32>
        %parallel_loop3A_166 = arith.index_cast %parallel_loop3A_120 : i32 to index
        %parallel_loop3A_167 = arith.constant 96 : index
        %parallel_loop3A_168 = tpu.vector_load %arg10[%parallel_loop3A_166, %parallel_loop3A_167] {strides = array<i32>} : memref<128x128xf32, #tpu.memory_space<vmem>>, vector<16xf32>,
        %parallel_loop3A_169 = arith.index_cast %parallel_loop3A_123 : i32 to index
        %parallel_loop3A_170 = arith.constant 96 : index
        %parallel_loop3A_171 = tpu.vector_load %arg9[%parallel_loop3A_169, %parallel_loop3A_170] {strides = array<i32>} : memref<200x128xf32, #tpu.memory_space<vmem>>, vector<16xf32>,
        %parallel_loop3A_172 = arith.addf %parallel_loop3A_168, %parallel_loop3A_171 : vector<16xf32>
        %parallel_loop3A_173 = arith.index_cast %parallel_loop3A_120 : i32 to index
        %parallel_loop3A_174 = arith.constant 112 : index
        %parallel_loop3A_175 = tpu.vector_load %arg10[%parallel_loop3A_173, %parallel_loop3A_174] {strides = array<i32>} : memref<128x128xf32, #tpu.memory_space<vmem>>, vector<16xf32>,
        %parallel_loop3A_176 = arith.index_cast %parallel_loop3A_123 : i32 to index
        %parallel_loop3A_177 = arith.constant 112 : index
        %parallel_loop3A_178 = tpu.vector_load %arg9[%parallel_loop3A_176, %parallel_loop3A_177] {strides = array<i32>} : memref<200x128xf32, #tpu.memory_space<vmem>>, vector<16xf32>,
        %parallel_loop3A_179 = arith.addf %parallel_loop3A_175, %parallel_loop3A_178 : vector<16xf32>
        %parallel_loop3A_180 = arith.addf %parallel_loop3A_130, %parallel_loop3A_137 : vector<16xf32>
        %parallel_loop3A_181 = arith.addf %parallel_loop3A_180, %parallel_loop3A_144 : vector<16xf32>
        %parallel_loop3A_182 = arith.addf %parallel_loop3A_181, %parallel_loop3A_151 : vector<16xf32>
        %parallel_loop3A_183 = arith.addf %parallel_loop3A_182, %parallel_loop3A_158 : vector<16xf32>
        %parallel_loop3A_184 = arith.addf %parallel_loop3A_183, %parallel_loop3A_165 : vector<16xf32>
        %parallel_loop3A_185 = arith.addf %parallel_loop3A_184, %parallel_loop3A_172 : vector<16xf32>
        %parallel_loop3A_186 = arith.addf %parallel_loop3A_185, %parallel_loop3A_179 : vector<16xf32>
        %parallel_loop3A_187 = arith.mulf %parallel_loop3A_130, %parallel_loop3A_130 : vector<16xf32>
        %parallel_loop3A_188 = arith.mulf %parallel_loop3A_137, %parallel_loop3A_137 : vector<16xf32>
        %parallel_loop3A_189 = arith.addf %parallel_loop3A_187, %parallel_loop3A_188 : vector<16xf32>
        %parallel_loop3A_190 = arith.mulf %parallel_loop3A_144, %parallel_loop3A_144 : vector<16xf32>
        %parallel_loop3A_191 = arith.addf %parallel_loop3A_189, %parallel_loop3A_190 : vector<16xf32>
        %parallel_loop3A_192 = arith.mulf %parallel_loop3A_151, %parallel_loop3A_151 : vector<16xf32>
        %parallel_loop3A_193 = arith.addf %parallel_loop3A_191, %parallel_loop3A_192 : vector<16xf32>
        %parallel_loop3A_194 = arith.mulf %parallel_loop3A_158, %parallel_loop3A_158 : vector<16xf32>
        %parallel_loop3A_195 = arith.addf %parallel_loop3A_193, %parallel_loop3A_194 : vector<16xf32>
        %parallel_loop3A_196 = arith.mulf %parallel_loop3A_165, %parallel_loop3A_165 : vector<16xf32>
        %parallel_loop3A_197 = arith.addf %parallel_loop3A_195, %parallel_loop3A_196 : vector<16xf32>
        %parallel_loop3A_198 = arith.mulf %parallel_loop3A_172, %parallel_loop3A_172 : vector<16xf32>
        %parallel_loop3A_199 = arith.addf %parallel_loop3A_197, %parallel_loop3A_198 : vector<16xf32>
        %parallel_loop3A_200 = arith.mulf %parallel_loop3A_179, %parallel_loop3A_179 : vector<16xf32>
        %parallel_loop3A_201 = arith.addf %parallel_loop3A_199, %parallel_loop3A_200 : vector<16xf32>
        %parallel_loop3A_202 = arith.constant true
        %parallel_loop3A_203 = vector.broadcast %parallel_loop3A_202 : i1 to vector<16xi1>
        %parallel_loop3A_204 = tpu.scan <sum>, %parallel_loop3A_186 masked %parallel_loop3A_203 : vector<16xf32>, vector<16xi1> -> vector<16xf32>
        %parallel_loop3A_205 = vector.extract %parallel_loop3A_204[15] : f32 from vector<16xf32>
        %parallel_loop3A_206 = arith.constant 7.812500e-03 : f32
        %parallel_loop3A_207 = arith.mulf %parallel_loop3A_205, %parallel_loop3A_206 : f32
        %parallel_loop3A_208 = arith.constant true
        %parallel_loop3A_209 = vector.broadcast %parallel_loop3A_208 : i1 to vector<16xi1>
        %parallel_loop3A_210 = tpu.scan <sum>, %parallel_loop3A_201 masked %parallel_loop3A_209 : vector<16xf32>, vector<16xi1> -> vector<16xf32>
        %parallel_loop3A_211 = vector.extract %parallel_loop3A_210[15] : f32 from vector<16xf32>
        %parallel_loop3A_212 = arith.constant 7.812500e-03 : f32
        %parallel_loop3A_213 = arith.mulf %parallel_loop3A_211, %parallel_loop3A_212 : f32
        %parallel_loop3A_214 = arith.mulf %parallel_loop3A_207, %parallel_loop3A_207 : f32
        %parallel_loop3A_215 = arith.subf %parallel_loop3A_213, %parallel_loop3A_214 : f32
        %parallel_loop3A_216 = arith.constant 9.99999974E-6 : f32
        %parallel_loop3A_217 = arith.addf %parallel_loop3A_215, %parallel_loop3A_216 : f32
        %parallel_loop3A_218 = arith.bitcast %parallel_loop3A_217 : f32 to i32
        %parallel_loop3A_219 = arith.constant 1 : i32
        %parallel_loop3A_220 = arith.shrsi %parallel_loop3A_218, %parallel_loop3A_219 : i32
        %parallel_loop3A_221 = arith.constant 1597463007 : i32
        %parallel_loop3A_222 = arith.subi %parallel_loop3A_221, %parallel_loop3A_220 : i32
        %parallel_loop3A_223 = arith.bitcast %parallel_loop3A_222 : i32 to f32
        %parallel_loop3A_224 = arith.constant 5.000000e-01 : f32
        %parallel_loop3A_225 = arith.mulf %parallel_loop3A_217, %parallel_loop3A_224 : f32
        %parallel_loop3A_226 = arith.mulf %parallel_loop3A_225, %parallel_loop3A_223 : f32
        %parallel_loop3A_227 = arith.mulf %parallel_loop3A_226, %parallel_loop3A_223 : f32
        %parallel_loop3A_228 = arith.constant 1.500000e+00 : f32
        %parallel_loop3A_229 = arith.subf %parallel_loop3A_228, %parallel_loop3A_227 : f32
        %parallel_loop3A_230 = arith.mulf %parallel_loop3A_223, %parallel_loop3A_229 : f32
        %parallel_loop3A_231 = arith.mulf %parallel_loop3A_225, %parallel_loop3A_230 : f32
        %parallel_loop3A_232 = arith.mulf %parallel_loop3A_231, %parallel_loop3A_230 : f32
        %parallel_loop3A_233 = arith.constant 1.500000e+00 : f32
        %parallel_loop3A_234 = arith.subf %parallel_loop3A_233, %parallel_loop3A_232 : f32
        %parallel_loop3A_235 = arith.mulf %parallel_loop3A_230, %parallel_loop3A_234 : f32
        %parallel_loop3A_236 = arith.mulf %parallel_loop3A_225, %parallel_loop3A_235 : f32
        %parallel_loop3A_237 = arith.mulf %parallel_loop3A_236, %parallel_loop3A_235 : f32
        %parallel_loop3A_238 = arith.constant 1.500000e+00 : f32
        %parallel_loop3A_239 = arith.subf %parallel_loop3A_238, %parallel_loop3A_237 : f32
        %parallel_loop3A_240 = arith.mulf %parallel_loop3A_235, %parallel_loop3A_239 : f32
        %parallel_loop3A_241 = vector.broadcast %parallel_loop3A_207 : f32 to vector<16xf32>
        %parallel_loop3A_242 = arith.subf %parallel_loop3A_130, %parallel_loop3A_241 : vector<16xf32>
        %parallel_loop3A_243 = vector.broadcast %parallel_loop3A_240 : f32 to vector<16xf32>
        %parallel_loop3A_244 = arith.mulf %parallel_loop3A_242, %parallel_loop3A_243 : vector<16xf32>
        %parallel_loop3A_245 = arith.mulf %parallel_loop3A_244, %get3A_3 : vector<16xf32>
        %parallel_loop3A_246 = arith.addf %parallel_loop3A_245, %get3A_19 : vector<16xf32>
        %parallel_loop3A_247 = arith.index_cast %parallel_loop3A_120 : i32 to index
        %parallel_loop3A_248 = arith.constant 0 : index
        %parallel_loop3A_249 = tpu.vector_load %arg10[%parallel_loop3A_247, %parallel_loop3A_248] {strides = array<i32>} : memref<128x128xf32, #tpu.memory_space<vmem>>, vector<16xf32>,
        tpu.vector_store %arg10[%parallel_loop3A_247, %parallel_loop3A_248], %parallel_loop3A_246 {strides = array<i32>} : memref<128x128xf32, #tpu.memory_space<vmem>>, vector<16xf32>,
        %parallel_loop3A_250 = vector.broadcast %parallel_loop3A_207 : f32 to vector<16xf32>
        %parallel_loop3A_251 = arith.subf %parallel_loop3A_137, %parallel_loop3A_250 : vector<16xf32>
        %parallel_loop3A_252 = vector.broadcast %parallel_loop3A_240 : f32 to vector<16xf32>
        %parallel_loop3A_253 = arith.mulf %parallel_loop3A_251, %parallel_loop3A_252 : vector<16xf32>
        %parallel_loop3A_254 = arith.mulf %parallel_loop3A_253, %get3A_5 : vector<16xf32>
        %parallel_loop3A_255 = arith.addf %parallel_loop3A_254, %get3A_21 : vector<16xf32>
        %parallel_loop3A_256 = arith.index_cast %parallel_loop3A_120 : i32 to index
        %parallel_loop3A_257 = arith.constant 16 : index
        %parallel_loop3A_258 = tpu.vector_load %arg10[%parallel_loop3A_256, %parallel_loop3A_257] {strides = array<i32>} : memref<128x128xf32, #tpu.memory_space<vmem>>, vector<16xf32>,
        tpu.vector_store %arg10[%parallel_loop3A_256, %parallel_loop3A_257], %parallel_loop3A_255 {strides = array<i32>} : memref<128x128xf32, #tpu.memory_space<vmem>>, vector<16xf32>,
        %parallel_loop3A_259 = vector.broadcast %parallel_loop3A_207 : f32 to vector<16xf32>
        %parallel_loop3A_260 = arith.subf %parallel_loop3A_144, %parallel_loop3A_259 : vector<16xf32>
        %parallel_loop3A_261 = vector.broadcast %parallel_loop3A_240 : f32 to vector<16xf32>
        %parallel_loop3A_262 = arith.mulf %parallel_loop3A_260, %parallel_loop3A_261 : vector<16xf32>
        %parallel_loop3A_263 = arith.mulf %parallel_loop3A_262, %get3A_7 : vector<16xf32>
        %parallel_loop3A_264 = arith.addf %parallel_loop3A_263, %get3A_23 : vector<16xf32>
        %parallel_loop3A_265 = arith.index_cast %parallel_loop3A_120 : i32 to index
        %parallel_loop3A_266 = arith.constant 32 : index
        %parallel_loop3A_267 = tpu.vector_load %arg10[%parallel_loop3A_265, %parallel_loop3A_266] {strides = array<i32>} : memref<128x128xf32, #tpu.memory_space<vmem>>, vector<16xf32>,
        tpu.vector_store %arg10[%parallel_loop3A_265, %parallel_loop3A_266], %parallel_loop3A_264 {strides = array<i32>} : memref<128x128xf32, #tpu.memory_space<vmem>>, vector<16xf32>,
        %parallel_loop3A_268 = vector.broadcast %parallel_loop3A_207 : f32 to vector<16xf32>
        %parallel_loop3A_269 = arith.subf %parallel_loop3A_151, %parallel_loop3A_268 : vector<16xf32>
        %parallel_loop3A_270 = vector.broadcast %parallel_loop3A_240 : f32 to vector<16xf32>
        %parallel_loop3A_271 = arith.mulf %parallel_loop3A_269, %parallel_loop3A_270 : vector<16xf32>
        %parallel_loop3A_272 = arith.mulf %parallel_loop3A_271, %get3A_9 : vector<16xf32>
        %parallel_loop3A_273 = arith.addf %parallel_loop3A_272, %get3A_25 : vector<16xf32>
        %parallel_loop3A_274 = arith.index_cast %parallel_loop3A_120 : i32 to index
        %parallel_loop3A_275 = arith.constant 48 : index
        %parallel_loop3A_276 = tpu.vector_load %arg10[%parallel_loop3A_274, %parallel_loop3A_275] {strides = array<i32>} : memref<128x128xf32, #tpu.memory_space<vmem>>, vector<16xf32>,
        tpu.vector_store %arg10[%parallel_loop3A_274, %parallel_loop3A_275], %parallel_loop3A_273 {strides = array<i32>} : memref<128x128xf32, #tpu.memory_space<vmem>>, vector<16xf32>,
        %parallel_loop3A_277 = vector.broadcast %parallel_loop3A_207 : f32 to vector<16xf32>
        %parallel_loop3A_278 = arith.subf %parallel_loop3A_158, %parallel_loop3A_277 : vector<16xf32>
        %parallel_loop3A_279 = vector.broadcast %parallel_loop3A_240 : f32 to vector<16xf32>
        %parallel_loop3A_280 = arith.mulf %parallel_loop3A_278, %parallel_loop3A_279 : vector<16xf32>
        %parallel_loop3A_281 = arith.mulf %parallel_loop3A_280, %get3A_11 : vector<16xf32>
        %parallel_loop3A_282 = arith.addf %parallel_loop3A_281, %get3A_27 : vector<16xf32>
        %parallel_loop3A_283 = arith.index_cast %parallel_loop3A_120 : i32 to index
        %parallel_loop3A_284 = arith.constant 64 : index
        %parallel_loop3A_285 = tpu.vector_load %arg10[%parallel_loop3A_283, %parallel_loop3A_284] {strides = array<i32>} : memref<128x128xf32, #tpu.memory_space<vmem>>, vector<16xf32>,
        tpu.vector_store %arg10[%parallel_loop3A_283, %parallel_loop3A_284], %parallel_loop3A_282 {strides = array<i32>} : memref<128x128xf32, #tpu.memory_space<vmem>>, vector<16xf32>,
        %parallel_loop3A_286 = vector.broadcast %parallel_loop3A_207 : f32 to vector<16xf32>
        %parallel_loop3A_287 = arith.subf %parallel_loop3A_165, %parallel_loop3A_286 : vector<16xf32>
        %parallel_loop3A_288 = vector.broadcast %parallel_loop3A_240 : f32 to vector<16xf32>
        %parallel_loop3A_289 = arith.mulf %parallel_loop3A_287, %parallel_loop3A_288 : vector<16xf32>
        %parallel_loop3A_290 = arith.mulf %parallel_loop3A_289, %get3A_13 : vector<16xf32>
        %parallel_loop3A_291 = arith.addf %parallel_loop3A_290, %get3A_29 : vector<16xf32>
        %parallel_loop3A_292 = arith.index_cast %parallel_loop3A_120 : i32 to index
        %parallel_loop3A_293 = arith.constant 80 : index
        %parallel_loop3A_294 = tpu.vector_load %arg10[%parallel_loop3A_292, %parallel_loop3A_293] {strides = array<i32>} : memref<128x128xf32, #tpu.memory_space<vmem>>, vector<16xf32>,
        tpu.vector_store %arg10[%parallel_loop3A_292, %parallel_loop3A_293], %parallel_loop3A_291 {strides = array<i32>} : memref<128x128xf32, #tpu.memory_space<vmem>>, vector<16xf32>,
        %parallel_loop3A_295 = vector.broadcast %parallel_loop3A_207 : f32 to vector<16xf32>
        %parallel_loop3A_296 = arith.subf %parallel_loop3A_172, %parallel_loop3A_295 : vector<16xf32>
        %parallel_loop3A_297 = vector.broadcast %parallel_loop3A_240 : f32 to vector<16xf32>
        %parallel_loop3A_298 = arith.mulf %parallel_loop3A_296, %parallel_loop3A_297 : vector<16xf32>
        %parallel_loop3A_299 = arith.mulf %parallel_loop3A_298, %get3A_15 : vector<16xf32>
        %parallel_loop3A_300 = arith.addf %parallel_loop3A_299, %get3A_31 : vector<16xf32>
        %parallel_loop3A_301 = arith.index_cast %parallel_loop3A_120 : i32 to index
        %parallel_loop3A_302 = arith.constant 96 : index
        %parallel_loop3A_303 = tpu.vector_load %arg10[%parallel_loop3A_301, %parallel_loop3A_302] {strides = array<i32>} : memref<128x128xf32, #tpu.memory_space<vmem>>, vector<16xf32>,
        tpu.vector_store %arg10[%parallel_loop3A_301, %parallel_loop3A_302], %parallel_loop3A_300 {strides = array<i32>} : memref<128x128xf32, #tpu.memory_space<vmem>>, vector<16xf32>,
        %parallel_loop3A_304 = vector.broadcast %parallel_loop3A_207 : f32 to vector<16xf32>
        %parallel_loop3A_305 = arith.subf %parallel_loop3A_179, %parallel_loop3A_304 : vector<16xf32>
        %parallel_loop3A_306 = vector.broadcast %parallel_loop3A_240 : f32 to vector<16xf32>
        %parallel_loop3A_307 = arith.mulf %parallel_loop3A_305, %parallel_loop3A_306 : vector<16xf32>
        %parallel_loop3A_308 = arith.mulf %parallel_loop3A_307, %get3A_17 : vector<16xf32>
        %parallel_loop3A_309 = arith.addf %parallel_loop3A_308, %get3A_33 : vector<16xf32>
        %parallel_loop3A_310 = arith.index_cast %parallel_loop3A_120 : i32 to index
        %parallel_loop3A_311 = arith.constant 112 : index
        %parallel_loop3A_312 = tpu.vector_load %arg10[%parallel_loop3A_310, %parallel_loop3A_311] {strides = array<i32>} : memref<128x128xf32, #tpu.memory_space<vmem>>, vector<16xf32>,
        tpu.vector_store %arg10[%parallel_loop3A_310, %parallel_loop3A_311], %parallel_loop3A_309 {strides = array<i32>} : memref<128x128xf32, #tpu.memory_space<vmem>>, vector<16xf32>,
      } {sc.loop_unroll_factor = 2 : i64, sc.parallel_access}
      %mul3A_76 = arith.constant 128 : i32
      %mul3A_77 = arith.muli %add3A_56, %mul3A_76 : i32
      %add3A_78 = arith.addi %mul3A_35, %mul3A_77 : i32
      %dma_start3A_79 = arith.constant 0 : i32
      %dma_start3A_80 = tpu.memref_slice %arg7[%add3A_78, %dma_start3A_79] : memref<204800x128xf32, #tpu.memory_space<hbm>> -> memref<128x128xf32, #tpu.memory_space<hbm>>
      %dma_start3A_81 = arith.constant 0 : i32
      %dma_start3A_82 = tpu.memref_slice %arg7[%add3A_78, %dma_start3A_81] : memref<204800x128xf32, #tpu.memory_space<hbm>> -> memref<128x128xf32, #tpu.memory_space<hbm>>
      tpu.enqueue_dma source(%arg10 : memref<128x128xf32, #tpu.memory_space<vmem>>) target(%dma_start3A_82 : memref<128x128xf32, #tpu.memory_space<hbm>>) target_semaphore(%arg16 : memref<!tpu.dma_semaphore, #tpu.memory_space<semaphore_mem>>)
      %mul3A_83 = arith.constant 2 : i32
      %mul3A_84 = arith.muli %scan3A_51, %mul3A_83 : i32
      %add3A_85 = arith.constant 1 : i32
      %add3A_86 = arith.addi %mul3A_84, %add3A_85 : i32
      %ge3A_87 = arith.constant 1 : i32
      %ge3A_88 = arith.cmpi sge, %add3A_86, %ge3A_87 : i32
      %convert_element_type3A_89 = arith.extui %ge3A_88 : i1 to i32
      %cond3A_90 = arith.constant 0 : i32
      %cond3A_91 = arith.cmpi ne, %convert_element_type3A_89, %cond3A_90 : i32
      scf.if %cond3A_91 {
        %dma_wait3A_120 = arith.constant 0 : i32
        %dma_wait3A_121 = arith.constant 0 : i32
        %dma_wait3A_122 = tpu.memref_slice %arg7[%dma_wait3A_120, %dma_wait3A_121] : memref<204800x128xf32, #tpu.memory_space<hbm>> -> memref<128x128xf32, #tpu.memory_space<hbm>>
        %dma_wait3A_123 = arith.constant 0 : i32
        %dma_wait3A_124 = arith.constant 0 : i32
        %dma_wait3A_125 = tpu.memref_slice %arg7[%dma_wait3A_123, %dma_wait3A_124] : memref<204800x128xf32, #tpu.memory_space<hbm>> -> memref<128x128xf32, #tpu.memory_space<hbm>>
        tpu.wait_dma2 semaphore(%arg16 : memref<!tpu.dma_semaphore, #tpu.memory_space<semaphore_mem>>) src(%arg10 : memref<128x128xf32, #tpu.memory_space<vmem>>) dst(%dma_wait3A_125 : memref<128x128xf32, #tpu.memory_space<hbm>>)
      } else {
      }
      %add3A_92 = arith.constant 1 : i32
      %add3A_93 = arith.addi %add3A_86, %add3A_92 : i32
      %lt3A_94 = arith.constant 50 : i32
      %lt3A_95 = arith.cmpi slt, %add3A_93, %lt3A_94 : i32
      %convert_element_type3A_96 = arith.extui %lt3A_95 : i1 to i32
      %cond3A_97 = arith.constant 0 : i32
      %cond3A_98 = arith.cmpi ne, %convert_element_type3A_96, %cond3A_97 : i32
      scf.if %cond3A_98 {
        %add3A_120 = arith.constant 1 : i32
        %add3A_121 = arith.addi %add3A_86, %add3A_120 : i32
        %mul3A_122 = arith.constant 128 : i32
        %mul3A_123 = arith.muli %add3A_121, %mul3A_122 : i32
        %dma_start3A_124 = tpu.memref_slice %arg8[%mul3A_123] : memref<6400xi32, #tpu.memory_space<vmem>> -> memref<128xi32, #tpu.memory_space<vmem>>
        %dma_start3A_125 = arith.constant 0 : i32
        %dma_start3A_126 = arith.constant 0 : i32
        %dma_start3A_127 = tpu.memref_slice %arg2[%dma_start3A_125, %dma_start3A_126] : memref<100000x128xf32, #tpu.memory_space<hbm>> -> memref<100000x128xf32, #tpu.memory_space<hbm>>
        tpu.enqueue_indirect_dma source(%dma_start3A_127 : memref<100000x128xf32, #tpu.memory_space<hbm>>) target(%arg10 : memref<128x128xf32, #tpu.memory_space<vmem>>) offsets(%dma_start3A_124 : memref<128xi32, #tpu.memory_space<vmem>>) semaphore(%arg14 : memref<!tpu.dma_semaphore, #tpu.memory_space<semaphore_mem>>)
      } else {
      }
      %dma_wait3A_99 = arith.constant 0 : i32
      %dma_wait3A_100 = arith.constant 0 : i32
      %dma_wait3A_101 = tpu.memref_slice %arg2[%dma_wait3A_99, %dma_wait3A_100] : memref<100000x128xf32, #tpu.memory_space<hbm>> -> memref<128x128xf32, #tpu.memory_space<hbm>>
      %dma_wait3A_102 = arith.constant 0 : i32
      %dma_wait3A_103 = arith.constant 0 : i32
      %dma_wait3A_104 = tpu.memref_slice %arg2[%dma_wait3A_102, %dma_wait3A_103] : memref<100000x128xf32, #tpu.memory_space<hbm>> -> memref<128x128xf32, #tpu.memory_space<hbm>>
      tpu.wait_dma2 semaphore(%arg15 : memref<!tpu.dma_semaphore, #tpu.memory_space<semaphore_mem>>) src(%dma_wait3A_104 : memref<128x128xf32, #tpu.memory_space<hbm>>) dst(%arg11 : memref<128x128xf32, #tpu.memory_space<vmem>>)
      %mul3A_105 = arith.constant 128 : i32
      %mul3A_106 = arith.muli %add3A_86, %mul3A_105 : i32
      %rem3A_107 = arith.constant 200 : i32
      %rem3A_108 = arith.remsi %mul3A_106, %rem3A_107 : i32
      %parallel_loop3A_109 = arith.constant 0 : i32
      %parallel_loop3A_110 = arith.constant 128 : i32
      %parallel_loop3A_111 = arith.constant 1 : i32
      scf.for %parallel_loop3A_120 = %parallel_loop3A_109 to %parallel_loop3A_110 step %parallel_loop3A_111  : i32 {
        %parallel_loop3A_121 = arith.addi %rem3A_108, %parallel_loop3A_120 : i32
        %parallel_loop3A_122 = arith.constant 200 : i32
        %parallel_loop3A_123 = arith.remsi %parallel_loop3A_121, %parallel_loop3A_122 : i32
        %parallel_loop3A_124 = arith.index_cast %parallel_loop3A_120 : i32 to index
        %parallel_loop3A_125 = arith.constant 0 : index
        %parallel_loop3A_126 = tpu.vector_load %arg11[%parallel_loop3A_124, %parallel_loop3A_125] {strides = array<i32>} : memref<128x128xf32, #tpu.memory_space<vmem>>, vector<16xf32>,
        %parallel_loop3A_127 = arith.index_cast %parallel_loop3A_123 : i32 to index
        %parallel_loop3A_128 = arith.constant 0 : index
        %parallel_loop3A_129 = tpu.vector_load %arg9[%parallel_loop3A_127, %parallel_loop3A_128] {strides = array<i32>} : memref<200x128xf32, #tpu.memory_space<vmem>>, vector<16xf32>,
        %parallel_loop3A_130 = arith.addf %parallel_loop3A_126, %parallel_loop3A_129 : vector<16xf32>
        %parallel_loop3A_131 = arith.index_cast %parallel_loop3A_120 : i32 to index
        %parallel_loop3A_132 = arith.constant 16 : index
        %parallel_loop3A_133 = tpu.vector_load %arg11[%parallel_loop3A_131, %parallel_loop3A_132] {strides = array<i32>} : memref<128x128xf32, #tpu.memory_space<vmem>>, vector<16xf32>,
        %parallel_loop3A_134 = arith.index_cast %parallel_loop3A_123 : i32 to index
        %parallel_loop3A_135 = arith.constant 16 : index
        %parallel_loop3A_136 = tpu.vector_load %arg9[%parallel_loop3A_134, %parallel_loop3A_135] {strides = array<i32>} : memref<200x128xf32, #tpu.memory_space<vmem>>, vector<16xf32>,
        %parallel_loop3A_137 = arith.addf %parallel_loop3A_133, %parallel_loop3A_136 : vector<16xf32>
        %parallel_loop3A_138 = arith.index_cast %parallel_loop3A_120 : i32 to index
        %parallel_loop3A_139 = arith.constant 32 : index
        %parallel_loop3A_140 = tpu.vector_load %arg11[%parallel_loop3A_138, %parallel_loop3A_139] {strides = array<i32>} : memref<128x128xf32, #tpu.memory_space<vmem>>, vector<16xf32>,
        %parallel_loop3A_141 = arith.index_cast %parallel_loop3A_123 : i32 to index
        %parallel_loop3A_142 = arith.constant 32 : index
        %parallel_loop3A_143 = tpu.vector_load %arg9[%parallel_loop3A_141, %parallel_loop3A_142] {strides = array<i32>} : memref<200x128xf32, #tpu.memory_space<vmem>>, vector<16xf32>,
        %parallel_loop3A_144 = arith.addf %parallel_loop3A_140, %parallel_loop3A_143 : vector<16xf32>
        %parallel_loop3A_145 = arith.index_cast %parallel_loop3A_120 : i32 to index
        %parallel_loop3A_146 = arith.constant 48 : index
        %parallel_loop3A_147 = tpu.vector_load %arg11[%parallel_loop3A_145, %parallel_loop3A_146] {strides = array<i32>} : memref<128x128xf32, #tpu.memory_space<vmem>>, vector<16xf32>,
        %parallel_loop3A_148 = arith.index_cast %parallel_loop3A_123 : i32 to index
        %parallel_loop3A_149 = arith.constant 48 : index
        %parallel_loop3A_150 = tpu.vector_load %arg9[%parallel_loop3A_148, %parallel_loop3A_149] {strides = array<i32>} : memref<200x128xf32, #tpu.memory_space<vmem>>, vector<16xf32>,
        %parallel_loop3A_151 = arith.addf %parallel_loop3A_147, %parallel_loop3A_150 : vector<16xf32>
        %parallel_loop3A_152 = arith.index_cast %parallel_loop3A_120 : i32 to index
        %parallel_loop3A_153 = arith.constant 64 : index
        %parallel_loop3A_154 = tpu.vector_load %arg11[%parallel_loop3A_152, %parallel_loop3A_153] {strides = array<i32>} : memref<128x128xf32, #tpu.memory_space<vmem>>, vector<16xf32>,
        %parallel_loop3A_155 = arith.index_cast %parallel_loop3A_123 : i32 to index
        %parallel_loop3A_156 = arith.constant 64 : index
        %parallel_loop3A_157 = tpu.vector_load %arg9[%parallel_loop3A_155, %parallel_loop3A_156] {strides = array<i32>} : memref<200x128xf32, #tpu.memory_space<vmem>>, vector<16xf32>,
        %parallel_loop3A_158 = arith.addf %parallel_loop3A_154, %parallel_loop3A_157 : vector<16xf32>
        %parallel_loop3A_159 = arith.index_cast %parallel_loop3A_120 : i32 to index
        %parallel_loop3A_160 = arith.constant 80 : index
        %parallel_loop3A_161 = tpu.vector_load %arg11[%parallel_loop3A_159, %parallel_loop3A_160] {strides = array<i32>} : memref<128x128xf32, #tpu.memory_space<vmem>>, vector<16xf32>,
        %parallel_loop3A_162 = arith.index_cast %parallel_loop3A_123 : i32 to index
        %parallel_loop3A_163 = arith.constant 80 : index
        %parallel_loop3A_164 = tpu.vector_load %arg9[%parallel_loop3A_162, %parallel_loop3A_163] {strides = array<i32>} : memref<200x128xf32, #tpu.memory_space<vmem>>, vector<16xf32>,
        %parallel_loop3A_165 = arith.addf %parallel_loop3A_161, %parallel_loop3A_164 : vector<16xf32>
        %parallel_loop3A_166 = arith.index_cast %parallel_loop3A_120 : i32 to index
        %parallel_loop3A_167 = arith.constant 96 : index
        %parallel_loop3A_168 = tpu.vector_load %arg11[%parallel_loop3A_166, %parallel_loop3A_167] {strides = array<i32>} : memref<128x128xf32, #tpu.memory_space<vmem>>, vector<16xf32>,
        %parallel_loop3A_169 = arith.index_cast %parallel_loop3A_123 : i32 to index
        %parallel_loop3A_170 = arith.constant 96 : index
        %parallel_loop3A_171 = tpu.vector_load %arg9[%parallel_loop3A_169, %parallel_loop3A_170] {strides = array<i32>} : memref<200x128xf32, #tpu.memory_space<vmem>>, vector<16xf32>,
        %parallel_loop3A_172 = arith.addf %parallel_loop3A_168, %parallel_loop3A_171 : vector<16xf32>
        %parallel_loop3A_173 = arith.index_cast %parallel_loop3A_120 : i32 to index
        %parallel_loop3A_174 = arith.constant 112 : index
        %parallel_loop3A_175 = tpu.vector_load %arg11[%parallel_loop3A_173, %parallel_loop3A_174] {strides = array<i32>} : memref<128x128xf32, #tpu.memory_space<vmem>>, vector<16xf32>,
        %parallel_loop3A_176 = arith.index_cast %parallel_loop3A_123 : i32 to index
        %parallel_loop3A_177 = arith.constant 112 : index
        %parallel_loop3A_178 = tpu.vector_load %arg9[%parallel_loop3A_176, %parallel_loop3A_177] {strides = array<i32>} : memref<200x128xf32, #tpu.memory_space<vmem>>, vector<16xf32>,
        %parallel_loop3A_179 = arith.addf %parallel_loop3A_175, %parallel_loop3A_178 : vector<16xf32>
        %parallel_loop3A_180 = arith.addf %parallel_loop3A_130, %parallel_loop3A_137 : vector<16xf32>
        %parallel_loop3A_181 = arith.addf %parallel_loop3A_180, %parallel_loop3A_144 : vector<16xf32>
        %parallel_loop3A_182 = arith.addf %parallel_loop3A_181, %parallel_loop3A_151 : vector<16xf32>
        %parallel_loop3A_183 = arith.addf %parallel_loop3A_182, %parallel_loop3A_158 : vector<16xf32>
        %parallel_loop3A_184 = arith.addf %parallel_loop3A_183, %parallel_loop3A_165 : vector<16xf32>
        %parallel_loop3A_185 = arith.addf %parallel_loop3A_184, %parallel_loop3A_172 : vector<16xf32>
        %parallel_loop3A_186 = arith.addf %parallel_loop3A_185, %parallel_loop3A_179 : vector<16xf32>
        %parallel_loop3A_187 = arith.mulf %parallel_loop3A_130, %parallel_loop3A_130 : vector<16xf32>
        %parallel_loop3A_188 = arith.mulf %parallel_loop3A_137, %parallel_loop3A_137 : vector<16xf32>
        %parallel_loop3A_189 = arith.addf %parallel_loop3A_187, %parallel_loop3A_188 : vector<16xf32>
        %parallel_loop3A_190 = arith.mulf %parallel_loop3A_144, %parallel_loop3A_144 : vector<16xf32>
        %parallel_loop3A_191 = arith.addf %parallel_loop3A_189, %parallel_loop3A_190 : vector<16xf32>
        %parallel_loop3A_192 = arith.mulf %parallel_loop3A_151, %parallel_loop3A_151 : vector<16xf32>
        %parallel_loop3A_193 = arith.addf %parallel_loop3A_191, %parallel_loop3A_192 : vector<16xf32>
        %parallel_loop3A_194 = arith.mulf %parallel_loop3A_158, %parallel_loop3A_158 : vector<16xf32>
        %parallel_loop3A_195 = arith.addf %parallel_loop3A_193, %parallel_loop3A_194 : vector<16xf32>
        %parallel_loop3A_196 = arith.mulf %parallel_loop3A_165, %parallel_loop3A_165 : vector<16xf32>
        %parallel_loop3A_197 = arith.addf %parallel_loop3A_195, %parallel_loop3A_196 : vector<16xf32>
        %parallel_loop3A_198 = arith.mulf %parallel_loop3A_172, %parallel_loop3A_172 : vector<16xf32>
        %parallel_loop3A_199 = arith.addf %parallel_loop3A_197, %parallel_loop3A_198 : vector<16xf32>
        %parallel_loop3A_200 = arith.mulf %parallel_loop3A_179, %parallel_loop3A_179 : vector<16xf32>
        %parallel_loop3A_201 = arith.addf %parallel_loop3A_199, %parallel_loop3A_200 : vector<16xf32>
        %parallel_loop3A_202 = arith.constant true
        %parallel_loop3A_203 = vector.broadcast %parallel_loop3A_202 : i1 to vector<16xi1>
        %parallel_loop3A_204 = tpu.scan <sum>, %parallel_loop3A_186 masked %parallel_loop3A_203 : vector<16xf32>, vector<16xi1> -> vector<16xf32>
        %parallel_loop3A_205 = vector.extract %parallel_loop3A_204[15] : f32 from vector<16xf32>
        %parallel_loop3A_206 = arith.constant 7.812500e-03 : f32
        %parallel_loop3A_207 = arith.mulf %parallel_loop3A_205, %parallel_loop3A_206 : f32
        %parallel_loop3A_208 = arith.constant true
        %parallel_loop3A_209 = vector.broadcast %parallel_loop3A_208 : i1 to vector<16xi1>
        %parallel_loop3A_210 = tpu.scan <sum>, %parallel_loop3A_201 masked %parallel_loop3A_209 : vector<16xf32>, vector<16xi1> -> vector<16xf32>
        %parallel_loop3A_211 = vector.extract %parallel_loop3A_210[15] : f32 from vector<16xf32>
        %parallel_loop3A_212 = arith.constant 7.812500e-03 : f32
        %parallel_loop3A_213 = arith.mulf %parallel_loop3A_211, %parallel_loop3A_212 : f32
        %parallel_loop3A_214 = arith.mulf %parallel_loop3A_207, %parallel_loop3A_207 : f32
        %parallel_loop3A_215 = arith.subf %parallel_loop3A_213, %parallel_loop3A_214 : f32
        %parallel_loop3A_216 = arith.constant 9.99999974E-6 : f32
        %parallel_loop3A_217 = arith.addf %parallel_loop3A_215, %parallel_loop3A_216 : f32
        %parallel_loop3A_218 = arith.bitcast %parallel_loop3A_217 : f32 to i32
        %parallel_loop3A_219 = arith.constant 1 : i32
        %parallel_loop3A_220 = arith.shrsi %parallel_loop3A_218, %parallel_loop3A_219 : i32
        %parallel_loop3A_221 = arith.constant 1597463007 : i32
        %parallel_loop3A_222 = arith.subi %parallel_loop3A_221, %parallel_loop3A_220 : i32
        %parallel_loop3A_223 = arith.bitcast %parallel_loop3A_222 : i32 to f32
        %parallel_loop3A_224 = arith.constant 5.000000e-01 : f32
        %parallel_loop3A_225 = arith.mulf %parallel_loop3A_217, %parallel_loop3A_224 : f32
        %parallel_loop3A_226 = arith.mulf %parallel_loop3A_225, %parallel_loop3A_223 : f32
        %parallel_loop3A_227 = arith.mulf %parallel_loop3A_226, %parallel_loop3A_223 : f32
        %parallel_loop3A_228 = arith.constant 1.500000e+00 : f32
        %parallel_loop3A_229 = arith.subf %parallel_loop3A_228, %parallel_loop3A_227 : f32
        %parallel_loop3A_230 = arith.mulf %parallel_loop3A_223, %parallel_loop3A_229 : f32
        %parallel_loop3A_231 = arith.mulf %parallel_loop3A_225, %parallel_loop3A_230 : f32
        %parallel_loop3A_232 = arith.mulf %parallel_loop3A_231, %parallel_loop3A_230 : f32
        %parallel_loop3A_233 = arith.constant 1.500000e+00 : f32
        %parallel_loop3A_234 = arith.subf %parallel_loop3A_233, %parallel_loop3A_232 : f32
        %parallel_loop3A_235 = arith.mulf %parallel_loop3A_230, %parallel_loop3A_234 : f32
        %parallel_loop3A_236 = arith.mulf %parallel_loop3A_225, %parallel_loop3A_235 : f32
        %parallel_loop3A_237 = arith.mulf %parallel_loop3A_236, %parallel_loop3A_235 : f32
        %parallel_loop3A_238 = arith.constant 1.500000e+00 : f32
        %parallel_loop3A_239 = arith.subf %parallel_loop3A_238, %parallel_loop3A_237 : f32
        %parallel_loop3A_240 = arith.mulf %parallel_loop3A_235, %parallel_loop3A_239 : f32
        %parallel_loop3A_241 = vector.broadcast %parallel_loop3A_207 : f32 to vector<16xf32>
        %parallel_loop3A_242 = arith.subf %parallel_loop3A_130, %parallel_loop3A_241 : vector<16xf32>
        %parallel_loop3A_243 = vector.broadcast %parallel_loop3A_240 : f32 to vector<16xf32>
        %parallel_loop3A_244 = arith.mulf %parallel_loop3A_242, %parallel_loop3A_243 : vector<16xf32>
        %parallel_loop3A_245 = arith.mulf %parallel_loop3A_244, %get3A_3 : vector<16xf32>
        %parallel_loop3A_246 = arith.addf %parallel_loop3A_245, %get3A_19 : vector<16xf32>
        %parallel_loop3A_247 = arith.index_cast %parallel_loop3A_120 : i32 to index
        %parallel_loop3A_248 = arith.constant 0 : index
        %parallel_loop3A_249 = tpu.vector_load %arg11[%parallel_loop3A_247, %parallel_loop3A_248] {strides = array<i32>} : memref<128x128xf32, #tpu.memory_space<vmem>>, vector<16xf32>,
        tpu.vector_store %arg11[%parallel_loop3A_247, %parallel_loop3A_248], %parallel_loop3A_246 {strides = array<i32>} : memref<128x128xf32, #tpu.memory_space<vmem>>, vector<16xf32>,
        %parallel_loop3A_250 = vector.broadcast %parallel_loop3A_207 : f32 to vector<16xf32>
        %parallel_loop3A_251 = arith.subf %parallel_loop3A_137, %parallel_loop3A_250 : vector<16xf32>
        %parallel_loop3A_252 = vector.broadcast %parallel_loop3A_240 : f32 to vector<16xf32>
        %parallel_loop3A_253 = arith.mulf %parallel_loop3A_251, %parallel_loop3A_252 : vector<16xf32>
        %parallel_loop3A_254 = arith.mulf %parallel_loop3A_253, %get3A_5 : vector<16xf32>
        %parallel_loop3A_255 = arith.addf %parallel_loop3A_254, %get3A_21 : vector<16xf32>
        %parallel_loop3A_256 = arith.index_cast %parallel_loop3A_120 : i32 to index
        %parallel_loop3A_257 = arith.constant 16 : index
        %parallel_loop3A_258 = tpu.vector_load %arg11[%parallel_loop3A_256, %parallel_loop3A_257] {strides = array<i32>} : memref<128x128xf32, #tpu.memory_space<vmem>>, vector<16xf32>,
        tpu.vector_store %arg11[%parallel_loop3A_256, %parallel_loop3A_257], %parallel_loop3A_255 {strides = array<i32>} : memref<128x128xf32, #tpu.memory_space<vmem>>, vector<16xf32>,
        %parallel_loop3A_259 = vector.broadcast %parallel_loop3A_207 : f32 to vector<16xf32>
        %parallel_loop3A_260 = arith.subf %parallel_loop3A_144, %parallel_loop3A_259 : vector<16xf32>
        %parallel_loop3A_261 = vector.broadcast %parallel_loop3A_240 : f32 to vector<16xf32>
        %parallel_loop3A_262 = arith.mulf %parallel_loop3A_260, %parallel_loop3A_261 : vector<16xf32>
        %parallel_loop3A_263 = arith.mulf %parallel_loop3A_262, %get3A_7 : vector<16xf32>
        %parallel_loop3A_264 = arith.addf %parallel_loop3A_263, %get3A_23 : vector<16xf32>
        %parallel_loop3A_265 = arith.index_cast %parallel_loop3A_120 : i32 to index
        %parallel_loop3A_266 = arith.constant 32 : index
        %parallel_loop3A_267 = tpu.vector_load %arg11[%parallel_loop3A_265, %parallel_loop3A_266] {strides = array<i32>} : memref<128x128xf32, #tpu.memory_space<vmem>>, vector<16xf32>,
        tpu.vector_store %arg11[%parallel_loop3A_265, %parallel_loop3A_266], %parallel_loop3A_264 {strides = array<i32>} : memref<128x128xf32, #tpu.memory_space<vmem>>, vector<16xf32>,
        %parallel_loop3A_268 = vector.broadcast %parallel_loop3A_207 : f32 to vector<16xf32>
        %parallel_loop3A_269 = arith.subf %parallel_loop3A_151, %parallel_loop3A_268 : vector<16xf32>
        %parallel_loop3A_270 = vector.broadcast %parallel_loop3A_240 : f32 to vector<16xf32>
        %parallel_loop3A_271 = arith.mulf %parallel_loop3A_269, %parallel_loop3A_270 : vector<16xf32>
        %parallel_loop3A_272 = arith.mulf %parallel_loop3A_271, %get3A_9 : vector<16xf32>
        %parallel_loop3A_273 = arith.addf %parallel_loop3A_272, %get3A_25 : vector<16xf32>
        %parallel_loop3A_274 = arith.index_cast %parallel_loop3A_120 : i32 to index
        %parallel_loop3A_275 = arith.constant 48 : index
        %parallel_loop3A_276 = tpu.vector_load %arg11[%parallel_loop3A_274, %parallel_loop3A_275] {strides = array<i32>} : memref<128x128xf32, #tpu.memory_space<vmem>>, vector<16xf32>,
        tpu.vector_store %arg11[%parallel_loop3A_274, %parallel_loop3A_275], %parallel_loop3A_273 {strides = array<i32>} : memref<128x128xf32, #tpu.memory_space<vmem>>, vector<16xf32>,
        %parallel_loop3A_277 = vector.broadcast %parallel_loop3A_207 : f32 to vector<16xf32>
        %parallel_loop3A_278 = arith.subf %parallel_loop3A_158, %parallel_loop3A_277 : vector<16xf32>
        %parallel_loop3A_279 = vector.broadcast %parallel_loop3A_240 : f32 to vector<16xf32>
        %parallel_loop3A_280 = arith.mulf %parallel_loop3A_278, %parallel_loop3A_279 : vector<16xf32>
        %parallel_loop3A_281 = arith.mulf %parallel_loop3A_280, %get3A_11 : vector<16xf32>
        %parallel_loop3A_282 = arith.addf %parallel_loop3A_281, %get3A_27 : vector<16xf32>
        %parallel_loop3A_283 = arith.index_cast %parallel_loop3A_120 : i32 to index
        %parallel_loop3A_284 = arith.constant 64 : index
        %parallel_loop3A_285 = tpu.vector_load %arg11[%parallel_loop3A_283, %parallel_loop3A_284] {strides = array<i32>} : memref<128x128xf32, #tpu.memory_space<vmem>>, vector<16xf32>,
        tpu.vector_store %arg11[%parallel_loop3A_283, %parallel_loop3A_284], %parallel_loop3A_282 {strides = array<i32>} : memref<128x128xf32, #tpu.memory_space<vmem>>, vector<16xf32>,
        %parallel_loop3A_286 = vector.broadcast %parallel_loop3A_207 : f32 to vector<16xf32>
        %parallel_loop3A_287 = arith.subf %parallel_loop3A_165, %parallel_loop3A_286 : vector<16xf32>
        %parallel_loop3A_288 = vector.broadcast %parallel_loop3A_240 : f32 to vector<16xf32>
        %parallel_loop3A_289 = arith.mulf %parallel_loop3A_287, %parallel_loop3A_288 : vector<16xf32>
        %parallel_loop3A_290 = arith.mulf %parallel_loop3A_289, %get3A_13 : vector<16xf32>
        %parallel_loop3A_291 = arith.addf %parallel_loop3A_290, %get3A_29 : vector<16xf32>
        %parallel_loop3A_292 = arith.index_cast %parallel_loop3A_120 : i32 to index
        %parallel_loop3A_293 = arith.constant 80 : index
        %parallel_loop3A_294 = tpu.vector_load %arg11[%parallel_loop3A_292, %parallel_loop3A_293] {strides = array<i32>} : memref<128x128xf32, #tpu.memory_space<vmem>>, vector<16xf32>,
        tpu.vector_store %arg11[%parallel_loop3A_292, %parallel_loop3A_293], %parallel_loop3A_291 {strides = array<i32>} : memref<128x128xf32, #tpu.memory_space<vmem>>, vector<16xf32>,
        %parallel_loop3A_295 = vector.broadcast %parallel_loop3A_207 : f32 to vector<16xf32>
        %parallel_loop3A_296 = arith.subf %parallel_loop3A_172, %parallel_loop3A_295 : vector<16xf32>
        %parallel_loop3A_297 = vector.broadcast %parallel_loop3A_240 : f32 to vector<16xf32>
        %parallel_loop3A_298 = arith.mulf %parallel_loop3A_296, %parallel_loop3A_297 : vector<16xf32>
        %parallel_loop3A_299 = arith.mulf %parallel_loop3A_298, %get3A_15 : vector<16xf32>
        %parallel_loop3A_300 = arith.addf %parallel_loop3A_299, %get3A_31 : vector<16xf32>
        %parallel_loop3A_301 = arith.index_cast %parallel_loop3A_120 : i32 to index
        %parallel_loop3A_302 = arith.constant 96 : index
        %parallel_loop3A_303 = tpu.vector_load %arg11[%parallel_loop3A_301, %parallel_loop3A_302] {strides = array<i32>} : memref<128x128xf32, #tpu.memory_space<vmem>>, vector<16xf32>,
        tpu.vector_store %arg11[%parallel_loop3A_301, %parallel_loop3A_302], %parallel_loop3A_300 {strides = array<i32>} : memref<128x128xf32, #tpu.memory_space<vmem>>, vector<16xf32>,
        %parallel_loop3A_304 = vector.broadcast %parallel_loop3A_207 : f32 to vector<16xf32>
        %parallel_loop3A_305 = arith.subf %parallel_loop3A_179, %parallel_loop3A_304 : vector<16xf32>
        %parallel_loop3A_306 = vector.broadcast %parallel_loop3A_240 : f32 to vector<16xf32>
        %parallel_loop3A_307 = arith.mulf %parallel_loop3A_305, %parallel_loop3A_306 : vector<16xf32>
        %parallel_loop3A_308 = arith.mulf %parallel_loop3A_307, %get3A_17 : vector<16xf32>
        %parallel_loop3A_309 = arith.addf %parallel_loop3A_308, %get3A_33 : vector<16xf32>
        %parallel_loop3A_310 = arith.index_cast %parallel_loop3A_120 : i32 to index
        %parallel_loop3A_311 = arith.constant 112 : index
        %parallel_loop3A_312 = tpu.vector_load %arg11[%parallel_loop3A_310, %parallel_loop3A_311] {strides = array<i32>} : memref<128x128xf32, #tpu.memory_space<vmem>>, vector<16xf32>,
        tpu.vector_store %arg11[%parallel_loop3A_310, %parallel_loop3A_311], %parallel_loop3A_309 {strides = array<i32>} : memref<128x128xf32, #tpu.memory_space<vmem>>, vector<16xf32>,
      } {sc.loop_unroll_factor = 2 : i64, sc.parallel_access}
      %mul3A_112 = arith.constant 128 : i32
      %mul3A_113 = arith.muli %add3A_86, %mul3A_112 : i32
      %add3A_114 = arith.addi %mul3A_35, %mul3A_113 : i32
      %dma_start3A_115 = arith.constant 0 : i32
      %dma_start3A_116 = tpu.memref_slice %arg7[%add3A_114, %dma_start3A_115] : memref<204800x128xf32, #tpu.memory_space<hbm>> -> memref<128x128xf32, #tpu.memory_space<hbm>>
      %dma_start3A_117 = arith.constant 0 : i32
      %dma_start3A_118 = tpu.memref_slice %arg7[%add3A_114, %dma_start3A_117] : memref<204800x128xf32, #tpu.memory_space<hbm>> -> memref<128x128xf32, #tpu.memory_space<hbm>>
      tpu.enqueue_dma source(%arg11 : memref<128x128xf32, #tpu.memory_space<vmem>>) target(%dma_start3A_118 : memref<128x128xf32, #tpu.memory_space<hbm>>) target_semaphore(%arg17 : memref<!tpu.dma_semaphore, #tpu.memory_space<semaphore_mem>>)
      %scan3A_119 = arith.constant 0 : i32
      scf.yield %scan3A_119 : i32
    }
    %scan3A_45 = arith.constant 25 : i32
    %dma_wait3A = arith.constant 0 : i32
    %dma_wait3A_46 = arith.constant 0 : i32
    %dma_wait3A_47 = tpu.memref_slice %arg7[%dma_wait3A, %dma_wait3A_46] : memref<204800x128xf32, #tpu.memory_space<hbm>> -> memref<128x128xf32, #tpu.memory_space<hbm>>
    %dma_wait3A_48 = arith.constant 0 : i32
    %dma_wait3A_49 = arith.constant 0 : i32
    %dma_wait3A_50 = tpu.memref_slice %arg7[%dma_wait3A_48, %dma_wait3A_49] : memref<204800x128xf32, #tpu.memory_space<hbm>> -> memref<128x128xf32, #tpu.memory_space<hbm>>
    tpu.wait_dma2 semaphore(%arg17 : memref<!tpu.dma_semaphore, #tpu.memory_space<semaphore_mem>>) src(%arg11 : memref<128x128xf32, #tpu.memory_space<vmem>>) dst(%dma_wait3A_50 : memref<128x128xf32, #tpu.memory_space<hbm>>)
    return
  }
}

</mosaic_0001>

<sc_bundles>
// kernel: kernel.3.cloned.1.call-start
scs
__scs_entry_jumppad:
0x0: {  	(pc) =	sbr.rel $0x88, $3  }
0x1: {  	(tag) =	ssettag $0x0;
	lr =	simm.s32 $0x1  }
0x2: {  	[smem:$0x3F9C] =	sst lr;
	_ =	strace $0xD0000000  }
0x3: {  	_ = 	snop  }
0x4: {  	_ = 	snop  }
0x5: {  	_ = 	snop  }
0x6: {  	_ = 	snop  }
0x7: {  	_ = 	snop  }
__scs_overlays_trampoline_lowered:
0x8: {  	[smem:$0x3FAB] =	sst s0  }
0x9: {  	[smem:$0x3FAC] =	sst s1  }
0xa: {  	[smem:$0x3FAD] =	sst s2  }
0xb: {  	[smem:$0x3FAE] =	sst s3  }
0xc: {  	[smem:$0x3FAF] =	sst s4  }
0xd: {  	[smem:$0x3FB0] =	sst s5  }
0xe: {  	[smem:$0x3FB1] =	sst s6  }
0xf: {  	[smem:$0x3FB2] =	sst s7  }
0x10: {  	[smem:$0x3FB3] =	sst s8  }
0x11: {  	[smem:$0x3FB4] =	sst s9;
	s0 =	simm.s32 @!p0 $0x0  }
0x12: {  	s1 =	sld [smem:$0x3F9A];
	s0 =	simm.s32 @p0 $0x1  }
0x13: {  	[smem:$0x3FB5] =	sst s0;
	s0 =	simm.s32 @!p1 $0x0  }
0x14: {  	s2 =	sld [smem:$0x3F99];
	s0 =	simm.s32 @p1 $0x1  }
0x15: {  	[smem:$0x3FB6] =	sst s0;
	s0 =	simm.s32 @!p2 $0x0  }
0x16: {  	s3 =	sld [smem:$0x3FDB];
	s0 =	simm.s32 @p2 $0x1  }
0x17: {  	s4 =	simm.s32 $0x1BF5;
	[smem:$0x3FB8] =	sst s0  }
0x18: {  	s0 =	sld [smem:$0x3F9B];
	_ =	swait.ge [sflag:s4], $0x0  }
0x19: {  	s7 =	sld [smem:$0x3F9C]  }
0x1a: {  	s8 =	sadd.s32 $0xFFFFE003, lr  }
0x1b: {  	s9 =	sadd.s32 $0xFFFFFEF7, lr;
	s5 =	simm.s32 $0xFFFFFFFF;
	p2 =	slt.u32 s8, $0xFFFFF086  }
0x1c: {  	p1 =	slt.u32 s9, $0xF7A;
	s5 =	simm.s32 @!p2 $0x0  }
0x1d: {  	s5 =	simm.s32 @p1 $0x1;
	p0 =	seq.s32 s7, s2  }
0x1e: {  	s7 =	smul.u32 @!p0 $0xF7A, s2;
	p2 =	seq.s32 @!p0 s5, $0x0  }
0x1f: {  	s9 =	smul.u32 $0xF7A, s1;
	s8 =	simm.s32 @!p0 $0x1BF5;
	p2 =	por !p2, p0  }
0x20: {  	[sflag:s8] =	ssyncset.s32 @!p0 $0xFFFFF086;
	s6 =	sadd.s32 @!p0 s3, s7;
	s7 =	simm.s32 @!p0 $0x108  }
0x21: {  	s3 =	sadd.s32 s3, s9;
	s6 =	sadd.s32 @!p0 $0x88, s6;
	s7 =	simm.s32 @p2 $0x1082  }
0x22: {  	[simem:s7], [sflag:s8] =	dma.local @!p0 [hbm:s6], $0xF7A  }
0x23: {  	s9 =	sor.u32 $0xD0000000, s2;
	s6 =	simm.s32 $0x108;
	_ =	swait.ge @!p0 [sflag:s8], $0x0  }
0x24: {  	s3 =	sadd.s32 $0x88, s3;
	s6 =	simm.s32 @!p1 $0x1082;
	[sflag:s4] =	ssyncset.s32 $0xFFFFF086  }
0x25: {  	[simem:s6], [sflag:s4] =	dma.local [hbm:s3], $0xF7A  }
0x26: {  	[smem:$0x3F9C] =	sst s1;
	(tag) =	ssettag s2;
	_ =	strace s9  }
0x27: {  	s1 =	sld [smem:$0x3FAC]  }
0x28: {  	s2 =	sld [smem:$0x3FAD]  }
0x29: {  	s4 =	sld [smem:$0x3FAF]  }
0x2a: {  	p0 =	seq.s32 s5, $0x0;
	s5 =	sld [smem:$0x3FB0]  }
0x2b: {  	s6 =	sld [smem:$0x3FB1]  }
0x2c: {  	s7 =	sld [smem:$0x3FB2]  }
0x2d: {  	s3 =	simm.s32 $0x108;
	s8 =	sld [smem:$0x3FB3]  }
0x2e: {  	s3 =	simm.s32 @!p0 $0x1082;
	s9 =	sld [smem:$0x3FB4]  }
0x2f: {  	lr =	sadd.s32 s0, s3;
	s0 =	sld [smem:$0x3FAB]  }
0x30: {  	s3 =	sld [smem:$0x3FAE]  }
0x31: {  	[smem:$0x3FB7] =	sst s10  }
0x32: {  	s10 =	sld [smem:$0x3FB5];
	_ =	sdelay $0x3  }
0x33: {  	p0 =	seq.s32 s10, $0x1;
	s10 =	sld [smem:$0x3FB7];
	_ =	sdelay $0x3  }
0x34: {  	[smem:$0x3FB7] =	sst s10  }
0x35: {  	s10 =	sld [smem:$0x3FB6];
	_ =	sdelay $0x3  }
0x36: {  	p1 =	seq.s32 s10, $0x1;
	s10 =	sld [smem:$0x3FB7];
	_ =	sdelay $0x3  }
0x37: {  	[smem:$0x3FB7] =	sst s10  }
0x38: {  	s10 =	sld [smem:$0x3FB8]  }
0x39: {  	_ = 	snop;
	(pc) =	sbr.ind lr, $3  }
0x3a: {  	_ = 	snop  }
0x3b: {  	_ = 	snop  }
0x3c: {  	p2 =	seq.s32 s10, $0x1;
	s10 =	sld [smem:$0x3FB7]  }
0x3d: {  	_ =	shalt  }
0x3e: {  	_ =	shalt  }
0x3f: {  	_ =	shalt  }
0x40: {  	_ =	shalt  }
0x41: {  	_ =	shalt  }
0x42: {  	_ =	shalt  }
0x43: {  	_ =	shalt  }
0x44: {  	_ =	shalt  }
0x45: {  	_ =	shalt  }
0x46: {  	_ =	shalt  }
0x47: {  	_ =	shalt  }
0x48: {  	_ =	shalt  }
0x49: {  	_ =	shalt  }
0x4a: {  	_ =	shalt  }
0x4b: {  	_ =	shalt  }
0x4c: {  	_ =	shalt  }
0x4d: {  	_ =	shalt  }
0x4e: {  	_ =	shalt  }
0x4f: {  	_ =	shalt  }
0x50: {  	_ =	shalt  }
0x51: {  	_ =	shalt  }
0x52: {  	_ =	shalt  }
0x53: {  	_ =	shalt  }
0x54: {  	_ =	shalt  }
0x55: {  	_ =	shalt  }
0x56: {  	_ =	shalt  }
0x57: {  	_ =	shalt  }
0x58: {  	_ =	shalt  }
0x59: {  	_ =	shalt  }
0x5a: {  	_ =	shalt  }
0x5b: {  	_ =	shalt  }
0x5c: {  	_ =	shalt  }
0x5d: {  	_ =	shalt  }
0x5e: {  	_ =	shalt  }
0x5f: {  	_ =	shalt  }
0x60: {  	_ =	shalt  }
0x61: {  	_ =	shalt  }
0x62: {  	_ =	shalt  }
0x63: {  	_ =	shalt  }
0x64: {  	_ =	shalt  }
0x65: {  	_ =	shalt  }
0x66: {  	_ =	shalt  }
0x67: {  	_ =	shalt  }
0x68: {  	_ =	shalt  }
0x69: {  	_ =	shalt  }
0x6a: {  	_ =	shalt  }
0x6b: {  	_ =	shalt  }
0x6c: {  	_ =	shalt  }
0x6d: {  	_ =	shalt  }
0x6e: {  	_ =	shalt  }
0x6f: {  	_ =	shalt  }
0x70: {  	_ =	shalt  }
0x71: {  	_ =	shalt  }
0x72: {  	_ =	shalt  }
0x73: {  	_ =	shalt  }
0x74: {  	_ =	shalt  }
0x75: {  	_ =	shalt  }
0x76: {  	_ =	shalt  }
0x77: {  	_ =	shalt  }
0x78: {  	_ =	shalt  }
0x79: {  	_ =	shalt  }
0x7a: {  	_ =	shalt  }
0x7b: {  	_ =	shalt  }
0x7c: {  	_ =	shalt  }
0x7d: {  	_ =	shalt  }
0x7e: {  	_ =	shalt  }
0x7f: {  	_ =	shalt  }
0x80: {  	_ =	shalt  }
0x81: {  	_ =	shalt  }
0x82: {  	_ =	shalt  }
0x83: {  	_ =	shalt  }
0x84: {  	_ =	shalt  }
0x85: {  	_ =	shalt  }
0x86: {  	_ =	shalt  }
0x87: {  	_ =	shalt  }
.Lfunc_end0:
.L_simem_size_0:
called_computation_lowered:
.L_overlay_start_0:
0x88: {  	s2 =	sld [smem:$0x3FD9]  }
0x89: {  	s3 =	sld [smem:$0x3FFE];
	_ =	sdelay $0x1  }
0x8a: {  	s1 =	srdreg.scid  }
0x8b: {  	s0 =	sand.u32 $0x1, s1  }
0x8c: {  	s17 =	sshll.u32 s0, $0xA;
	s2 =	sadd.s32 s3, s2  }
0x8d: {  	s2 =	sadd.s32 s2, s17  }
0x8e: {  	[smem:$0x3FC3] =	sst s2  }
0x8f: {  	_ = 	snop  }
0x90: {  	s2 =	sld [smem:$0x3FC8]  }
0x91: {  	s18 =	sld [smem:$0x3FC7]  }
0x92: {  	s4 =	sld [smem:$0x3FC6]  }
0x93: {  	s5 =	sld [smem:$0x3FC5]  }
0x94: {  	s6 =	sld [smem:$0x3FD0];
	(tm) =	ssettm $0x1  }
0x95: {  	s7 =	sld [smem:$0x3FFB];
	_ =	sdelay $0x3  }
0x96: {  	_ =	strace s7  }
0x97: {  	s7 =	sld [smem:$0x3FFC];
	_ =	sdelay $0x3  }
0x98: {  	_ =	strace s7  }
0x99: {  	s7 =	sld [smem:$0x3FFD];
	_ =	sdelay $0x3  }
0x9a: {  	_ =	strace s7  }
0x9b: {  	_ =	strace $0x8FFFFFFF  }
0x9c: {  	s19 =	sld [smem:$0x3FDB];
	_ =	sdelay $0x1  }
0x9d: {  	s8 =	simm.s32 $_scs_section_size  }
0x9e: {  	s9 =	simm.s32 $_size__tile_overlayer_lowered;
	s10 =	simm.s32 $_tile_overlayer_lowered  }
0x9f: {  	s22 =	simm.s32 $0x1BFF;
	s21 =	sshll.u32 s10, $0x1;
	s7 =	sadd.s32 s8, s19  }
0xa0: {  	s11 =	simm.s32 $0x0;
	s20 =	sshll.u32 s9, $0x1;
	s9 =	sadd.s32 s21, s7  }
0xa1: {  	[timem:s11], [sflag:s22] =	dma.local [hbm:s9], s20  }
0xa2: {  	_ =	swait.ge [sflag:s22], s20  }
0xa3: {  	s8 =	ssub.s32 $0x0, s20;
	[sflag:s22] =	ssyncset.done $0x0  }
0xa4: {  	[sflag:s22] =	ssyncadd.s32 s8;
	_ =	sdelay $0x1  }
0xa5: {  	s23 =	simm.s32 $0x1B8B  }
0xa6: {  	_ =	swait.ge [sflag:s23], $0x1  }
0xa7: {  	[sflag:s23] =	ssyncset.done $0x0  }
0xa8: {  	s25 =	simm.s32 $0x1B8E;
	s24 =	sld [smem:$0x3FFE];
	[sflag:s23] =	ssyncadd.s32 $0xFFFFFFFF  }
0xa9: {  	s26 =	simm.s32 $execute0_lowered;
	[smem:$0x3FD2] =	sst s25  }
0xaa: {  	s9 =	sshll.u32 s26, $0x1;
	_ =	strace $0x80000046;
	[dreg:$0x1] =	wrdreg $0xFFFFFFFF  }
0xab: {  	s28 =	simm.s32 $_size_execute0_lowered;
	s7 =	sadd.s32 s7, s9;
	[dreg:$0x0] =	wrdreg $0x0  }
0xac: {  	s9 =	sshll.u32 s28, $0x1;
	[dreg:$0x2] =	wrdreg s7  }
0xad: {  	[dreg:$0x3] =	wrdreg s9  }
0xae: {  	[dreg:$0x4] =	wrdreg $0xC0  }
0xaf: {  	_ =	task [dreg:s11], $0x5FFFF  }
0xb0: {  	[dreg:$0x1] =	wrdreg $0xFFFFFFFF  }
0xb1: {  	[dreg:$0x0] =	wrdreg $0x60  }
0xb2: {  	[dreg:$0x2] =	wrdreg s2  }
0xb3: {  	[dreg:$0x3] =	wrdreg s24  }
0xb4: {  	[dreg:$0x4] =	wrdreg s18  }
0xb5: {  	[dreg:$0x5] =	wrdreg s4  }
0xb6: {  	[dreg:$0x6] =	wrdreg s5  }
0xb7: {  	[dreg:$0x7] =	wrdreg s6  }
0xb8: {  	[dreg:$0x8] =	wrdreg $0x9  }
0xb9: {  	_ =	task.clear_ibuf [dreg:s11], $0x9FFFF;
	_ =	strace $0x90000046  }
0xba: {  	s29 =	simm.s32 $0x9;
	_ =	strace $0x80000048  }
0xbb: {  	_ =	swait.ge [sflag:s29], $0x1  }
0xbc: {  	[sflag:s29] =	ssyncadd.s32 $0xFFFFFFFF  }
0xbd: {  	_ =	strace $0x90000048  }
0xbe: {  	_ =	sfence  }
0xbf: {  	s30 =	sld [smem:$0x0];
	_ =	sdelay $0x2  }
0xc0: {  	s31 =	sshll.u32 s1, $0xD;
	s1 =	sshrl.u32 s1, $0x2  }
0xc1: {  	s3 =	sand.u32 $0x4000, s31;
	s1 =	sadd.s32 s1, s30  }
0xc2: {  	s0 =	sor.u32 s3, s0;
	s1 =	sshll.u32 s1, $0x11  }
0xc3: {  	s0 =	sor.u32 s1, s0  }
0xc4: {  	s0 =	sadd.s32 $0x8F2B, s0  }
0xc5: {  	[sflag:s0] =	ssyncadd.remote.s32 $0x1  }
0xc6: {  	_ =	sfence.sel $0xFFFF  }
0xc7: {  	[dreg:$0x0] =	wrdreg $0xFFFFFFFF;
	(pc) =	sbr.abs _section_cstart, $3  }
0xc8: {  	[dreg:$0x1] =	wrdreg $0xFFFFFFFF  }
0xc9: {  	_ =	task.clear_ibuf [dreg:s11], $0x2FFFF;
	_ =	strace $0x9FFFFFFF  }
0xca: {  	(tm) =	ssettm $0x7FFFFFFF  }
0xcb: {  	_ =	shalt  }
tec
execute0_lowered:
.L_overlay_start_1:
0x0: {  	(tag) =	ssettag $0x1  }
0x1: {  	s1 =	rddreg [dreg:$0x0]  }
0x2: {  	s0 =	rddreg [dreg:$0x1];
	s2 =	srdreg.scid  }
0x3: {  	s3 =	stileid.u32;
	s6 =	rddreg [dreg:$0x5];
	s8 =	simm.s32 $0x0  }
0x4: {  	s11 =	simm.s32 $0x5;
	s2 =	sand.u32 $0x1, s2;
	s3 =	sshll.u32 s3, $0x1  }
0x5: {  	s15 =	simm.s32 $0x7D00;
	s16 =	simm.s32 $0x80;
	s3 =	sor.u32 s2, s3  }
0x6: {  	s17 =	simm.s32 $0xBD00;
	s2 =	ssub.s32 $0x2, s2;
	s7 =	smul.u32 $0x1900, s3  }
0x7: {  	s18 =	simm.s32 $0x1;
	s19 =	simm.s32 $0x3;
	s4 =	sshrl.u32 s2, $0x1  }
0x8: {  	s20 =	simm.s32 $0x2;
	s2 =	ssub.s32 s2, s4;
	s3 =	sshrl.u32 s7, $0x3  }
0x9: {  	[smem:$0x7FF] =	sst s8;
	s31 =	smax.u32 s2, $0x1;
	s0 =	sadd.s32 s3, s0  }
0xa: {  	_ =	strace $0x80000047;
	[dreg:$0xa] =	wrdreg s31;
	s0 =	sadd.s32 $0x400, s0  }
0xb: {  	s21 =	simm.s32 $0x4;
	s22 =	simm.s32 $0x0;
	[dreg:$0x9] =	wrdreg s0  }
.LBB2_1:
0xc: {  	s0 =	rddreg [dreg:$0x9]  }
0xd: {  	[tilespmem:s8], [sflag:$0x5] =	stream.linear.gather [hbm4b:s0+s8], $0x1900, $0x38;
	[tilespmem:$0xFE00] =	vst v63  }
0xe: {  	_ =	swait.ge [sflag:s11], $0x1900  }
0xf: {  	[sflag:s11] =	ssyncset.done $0x0  }
0x10: {  	[sflag:s11] =	ssyncadd.s32 $0xFFFFE700  }
0x11: {  	s2 =	simm.s32 $0x1900;
	s26 =	rddreg [dreg:$0x2]  }
0x12: {  	[tilespmem:s2], [sflag:$0x5] =	stream.linear.gather [hbm4b:s26+s8], $0x6400, $0x38;
	[tilespmem:$0xFE00] =	vst v63  }
0x13: {  	_ =	swait.ge [sflag:s11], $0x6400  }
0x14: {  	[sflag:s11] =	ssyncset.done $0x0  }
0x15: {  	[sflag:s11] =	ssyncadd.s32 $0xFFFF9C00  }
0x16: {  	s29 =	simm.s32 $0xFD00;
	s28 =	rddreg [dreg:$0x3]  }
0x17: {  	[tilespmem:s29], [sflag:$0x5] =	stream.linear.gather [hbm4b:s28+s8], $0x80, $0x38;
	[tilespmem:$0xFE00] =	vst v63  }
0x18: {  	_ =	swait.ge [sflag:s11], $0x80  }
0x19: {  	[sflag:s11] =	ssyncset.done $0x0  }
0x1a: {  	[sflag:s11] =	ssyncadd.s32 $0xFFFFFF80  }
0x1b: {  	s31 =	simm.s32 $0xFD80;
	s30 =	rddreg [dreg:$0x4]  }
0x1c: {  	[tilespmem:s31], [sflag:$0x5] =	stream.linear.gather [hbm4b:s30+s8], $0x80, $0x38;
	[tilespmem:$0xFE00] =	vst v63  }
0x1d: {  	_ =	swait.ge [sflag:s11], $0x80  }
0x1e: {  	[sflag:s11] =	ssyncset.done $0x0  }
0x1f: {  	[sflag:s11] =	ssyncadd.s32 $0xFFFFFF80  }
0x20: {  	v0 =	vld [tilespmem:$0xFD00]  }
0x21: {  	v57 =	vld [tilespmem:$0xFD10]  }
0x22: {  	v58 =	vld [tilespmem:$0xFD20]  }
0x23: {  	v59 =	vld [tilespmem:$0xFD30]  }
0x24: {  	v60 =	vld [tilespmem:$0xFD40]  }
0x25: {  	v61 =	vld [tilespmem:$0xFD50]  }
0x26: {  	v62 =	vld [tilespmem:$0xFD60]  }
0x27: {  	v63 =	vld [tilespmem:$0xFD70]  }
0x28: {  	v8 =	vld [tilespmem:$0xFD80]  }
0x29: {  	v9 =	vld [tilespmem:$0xFD90]  }
0x2a: {  	v10 =	vld [tilespmem:$0xFDA0]  }
0x2b: {  	v11 =	vld [tilespmem:$0xFDB0]  }
0x2c: {  	v12 =	vld [tilespmem:$0xFDC0]  }
0x2d: {  	v13 =	vld [tilespmem:$0xFDD0]  }
0x2e: {  	v14 =	vld [tilespmem:$0xFDE0]  }
0x2f: {  	v15 =	vld [tilespmem:$0xFDF0];
	[tilespmem:s15], [sflag:$0x1] =	stream.indirect.gather [hbm4b:s1+s16], $0x80, s8, s16, $0xb8  }
0x30: {  	[tilespmem:$0x1FF80] =	vst v0  }
0x31: {  	[tilespmem:$0x1FF90] =	vst v57  }
0x32: {  	[tilespmem:$0x1FFA0] =	vst v58  }
0x33: {  	[tilespmem:$0x1FFB0] =	vst v59  }
0x34: {  	[tilespmem:$0x1FFC0] =	vst v60  }
0x35: {  	[tilespmem:$0x1FFD0] =	vst v61  }
0x36: {  	[tilespmem:$0x1FFE0] =	vst v62  }
0x37: {  	s23 =	simm.s32 $0x80;
	s24 =	simm.s32 $0x0;
	s25 =	simm.s32 $0x0;
	[tilespmem:$0x1FFF0] =	vst v63  }
.LBB2_2:
0x38: {  	s0 =	smulhi.u32 $0x51EB851F, s23  }
0x39: {  	s2 =	smulhi.u32 $0x51EB851F, s24  }
0x3a: {  	s0 =	sshrl.u32 s0, $0x6  }
0x3b: {  	s2 =	sshrl.u32 s2, $0x6;
	s0 =	smul.u32 $0xC8, s0  }
0x3c: {  	s2 =	smul.u32 $0xC8, s2  }
0x3d: {  	s0 =	ssub.s32 s24, s0  }
0x3e: {  	p0 =	seq.s32 s25, $0x0;
	s3 =	ssub.s32 s24, s2;
	[dreg:$0x8] =	wrdreg s0  }
0x3f: {  	s4 =	sshll.u32 s25, $0x1;
	s2 =	simm.s32 @!p0 $0x4;
	[dreg:$0x7] =	wrdreg s3  }
0x40: {  	s0 =	sor.u32 $0x1, s4;
	_ =	swait.ge @!p0 [sflag:s2], $0x4000  }
0x41: {  	s26 =	sshll.u32 s0, $0x7;
	[sflag:s2] =	ssyncset.done @!p0 $0x0  }
0x42: {  	s0 =	sand.u32 $0x3FFFFF80, s26;
	[sflag:s2] =	ssyncadd.s32 @!p0 $0xFFFFC000  }
0x43: {  	[tilespmem:s17], [sflag:$0x2] =	stream.indirect.gather [hbm4b:s1+s16], $0x80, s0, s16, $0xb8;
	[tilespmem:$0xFE00] =	vst v63  }
0x44: {  	_ =	swait.ge [sflag:s18], $0x4000  }
0x45: {  	s5 =	rddreg [dreg:$0x7]  }
0x46: {  	s0 =	sadd.s32 $0xFFFFFFFE, s5  }
0x47: {  	[sflag:s18] =	ssyncset.done $0x0;
	s9 =	sadd.s32 $0x3, s0  }
0x48: {  	s28 =	simm.s32 $0x7D80;
	[sflag:s18] =	ssyncadd.s32 $0xFFFFC000;
	s3 =	sshll.u32 s9, $0x9  }
0x49: {  	v16 =	vld [tilespmem:s28+$0x0];
	p0 =	slt.u32 s9, $0xC8;
	s2 =	sadd.s32 $0xFFFE7000, s3  }
0x4a: {  	v17 =	vld [tilespmem:s28+$0x10];
	s2 =	smov.u32 @p0 s3  }
0x4b: {  	v20 =	vld [tilespmem:s28+$0x20];
	s2 =	sshra.s32 s2, $0x2  }
0x4c: {  	v18 =	vld [tilespmem:s2+$0x1900]  }
0x4d: {  	v19 =	vld [tilespmem:s2+$0x1910]  }
0x4e: {  	v22 =	vld [tilespmem:s28+$0x30]  }
0x4f: {  	v21 =	vld [tilespmem:s2+$0x1920]  }
0x50: {  	v25 =	vld [tilespmem:s28+$0x40]  }
0x51: {  	v23 =	vld [tilespmem:s2+$0x1930]  }
0x52: {  	s0 =	sadd.s32 $0x2, s0;
	v31 =	vld [tilespmem:s28+$0x60];
	v29 =	vadd.f32 v18, v16;
	v24 =	vadd.f32 v19, v17  }
0x53: {  	s3 =	sshll.u32 s0, $0x9;
	v16 =	vld [tilespmem:s2+$0x1940]  }
0x54: {  	p0 =	slt.u32 s0, $0xC8;
	s0 =	sadd.s32 $0xFFFE7000, s3;
	v17 =	vld [tilespmem:s28+$0x50];
	v26 =	vadd.f32 v21, v20;
	v19 =	vmul.f32 v29, v29;
	v20 =	vmul.f32 v24, v24  }
0x55: {  	s0 =	smov.u32 @p0 s3;
	v18 =	vld [tilespmem:s2+$0x1950];
	v21 =	vadd.f32 v24, v29  }
0x56: {  	s0 =	sshra.s32 s0, $0x2;
	v27 =	vadd.f32 v23, v22;
	v22 =	vld [tilespmem:s2+$0x1960];
	v19 =	vadd.f32 v20, v19;
	v20 =	vmul.f32 v26, v26  }
0x57: {  	v32 =	vld [tilespmem:s0+$0x1900];
	v21 =	vadd.f32 v26, v21  }
0x58: {  	v23 =	vld [tilespmem:s28+$0x70];
	v28 =	vadd.f32 v16, v25;
	v19 =	vadd.f32 v20, v19;
	v20 =	vmul.f32 v27, v27  }
0x59: {  	v16 =	vld [tilespmem:s2+$0x1970];
	v21 =	vadd.f32 v27, v21  }
0x5a: {  	v30 =	vadd.f32 v18, v17;
	v17 =	vld [tilespmem:s0+$0x1910];
	v18 =	vadd.f32 v20, v19;
	v19 =	vmul.f32 v28, v28  }
0x5b: {  	v1 =	vadd.f32 v22, v31;
	v22 =	vld [tilespmem:s28+$0xFFFFFF90];
	v20 =	vadd.f32 v28, v21  }
0x5c: {  	v21 =	vld [tilespmem:s28+$0xFFFFFF80];
	v18 =	vadd.f32 v19, v18;
	v19 =	vmul.f32 v30, v30  }
0x5d: {  	v34 =	vld [tilespmem:s0+$0x1920];
	v20 =	vadd.f32 v30, v20  }
0x5e: {  	v31 =	vadd.f32 v16, v23;
	v16 =	vld [tilespmem:s28+$0xFFFFFFA0];
	v18 =	vadd.f32 v19, v18;
	v19 =	vmul.f32 v1, v1  }
0x5f: {  	v35 =	vld [tilespmem:s28+$0xFFFFFFB0];
	v20 =	vadd.f32 v1, v20  }
0x60: {  	v23 =	vld [tilespmem:s0+$0x1930];
	v33 =	vadd.f32 v17, v22;
	v18 =	vadd.f32 v19, v18;
	v19 =	vmul.f32 v31, v31  }
0x61: {  	v17 =	vld [tilespmem:s28+$0xFFFFFFC0];
	v32 =	vadd.f32 v32, v21;
	v20 =	vadd.f32 v31, v20  }
0x62: {  	v21 =	vld [tilespmem:s0+$0x1940];
	v18 =	vadd.f32 v19, v18  }
0x63: {  	v34 =	vadd.f32 v34, v16;
	v16 =	vadd.f32 v33, v32;
	(xrf2) =	vadd.scan.msk.f32 $0xffff, v20;
	v19 =	vld [tilespmem:s0+$0x1950]  }
0x64: {  	v20 =	vld [tilespmem:s28+$0xFFFFFFD0];
	(xrf2) =	vadd.scan.msk.f32 $0xffff, v18  }
0x65: {  	v38 =	vld [tilespmem:s0+$0x1960];
	v35 =	vadd.f32 v23, v35;
	v16 =	vadd.f32 v34, v16  }
0x66: {  	v22 =	vmul.f32 v33, v33;
	v23 =	vld [tilespmem:s28+$0xFFFFFFE0];
	v18 =	vmul.f32 v32, v32  }
0x67: {  	v39 =	vld [tilespmem:s0+$0x1970];
	v36 =	vadd.f32 v21, v17;
	v16 =	vadd.f32 v35, v16  }
0x68: {  	v17 =	vld [tilespmem:s28+$0xFFFFFFF0];
	v18 =	vadd.f32 v22, v18;
	v22 =	vmul.f32 v34, v34  }
0x69: {  	v37 =	vadd.f32 v19, v20;
	v16 =	vadd.f32 v36, v16  }
0x6a: {  	v21 =	vmul.f32 v35, v35;
	v19 =	vmul.f32 v36, v36;
	v18 =	vadd.f32 v22, v18  }
0x6b: {  	v38 =	vadd.f32 v38, v23;
	v16 =	vadd.f32 v37, v16  }
0x6c: {  	v18 =	vadd.f32 v21, v18  }
0x6d: {  	v41 =	vadd.f32 v39, v17;
	v16 =	vadd.f32 v38, v16;
	v20, _, _ =	vpop (xrf2)  }
0x6e: {  	s29 =	simm.s32 $0x7E80;
	s10 =	rddreg [dreg:$0x7];
	v17 =	vmul.f32 v37, v37;
	v18 =	vadd.f32 v19, v18;
	(v2sf) =	vpush v20, $0xF;
	v19, _, _ =	vpop (xrf2)  }
0x6f: {  	v40 =	vld [tilespmem:s29+$0x40];
	s0 =	sadd.s32 $0x0, s10;
	(v2sf) =	vpush v19, $0xF  }
0x70: {  	v42 =	vld [tilespmem:s29+$0x50];
	s12 =	sadd.s32 $0x3, s0;
	v16 =	vadd.f32 v41, v16;
	v17 =	vadd.f32 v17, v18;
	v19 =	vmul.f32 v38, v38  }
0x71: {  	v45 =	vld [tilespmem:s29+$0x60];
	s3 =	sshll.u32 s12, $0x9  }
0x72: {  	v56 =	vld [tilespmem:s29+$0x70];
	p0 =	slt.u32 s12, $0xC8;
	s2 =	sadd.s32 $0xFFFE7000, s3;
	v20 =	vmul.f32 v41, v41;
	(xrf2) =	vadd.scan.msk.f32 $0xffff, v16;
	v17 =	vadd.f32 v19, v17  }
0x73: {  	v48 =	vld [tilespmem:s29+$0xFFFFFF80];
	s2 =	smov.u32 @p0 s3  }
0x74: {  	v61 =	vld [tilespmem:s29+$0xFFFFFF90];
	s3 =	sshra.s32 s2, $0x2;
	v17 =	vadd.f32 v20, v17  }
0x75: {  	v22 =	vld [tilespmem:s3+$0x1920]  }
0x76: {  	v19 =	vld [tilespmem:s29+$0x10];
	(xrf2) =	vadd.scan.msk.f32 $0xffff, v17  }
0x77: {  	v20 =	vld [tilespmem:s3+$0x1910]  }
0x78: {  	v18 =	vld [tilespmem:s29+$0x0]  }
0x79: {  	s0 =	sadd.s32 $0x2, s0;
	v16 =	vld [tilespmem:s3+$0x1900]  }
0x7a: {  	s2 =	sshll.u32 s0, $0x9;
	v21 =	vld [tilespmem:s29+$0x20]  }
0x7b: {  	v23 =	vld [tilespmem:s29+$0x30];
	p0 =	slt.u32 s0, $0xC8;
	s4 =	sadd.s32 $0xFFFE7000, s2  }
0x7c: {  	v53 =	vld [tilespmem:s3+$0x1930];
	s4 =	smov.u32 @p0 s2;
	v17 =	vadd.f32 v20, v19;
	v19, _, _ =	vpop (xrf2)  }
0x7d: {  	v57 =	vld [tilespmem:s3+$0x1970];
	s2 =	sshra.s32 s4, $0x2;
	(v2sf) =	vpush v19, $0xF;
	s13 =	spop (v2sf)  }
0x7e: {  	v58 =	vld [tilespmem:s2+$0x1900];
	v16 =	vadd.f32 v16, v18;
	s0 =	smul.f32 $7.812500000e-03, s13;
	s5 =	spop (v2sf)  }
0x7f: {  	v18 =	vadd.f32 v22, v21;
	v20 =	vld [tilespmem:s3+$0x1940];
	s5 =	smul.f32 $7.812500000e-03, s5  }
0x80: {  	v21 =	vld [tilespmem:s3+$0x1950];
	v22 =	vmul.f32 v16, v16;
	v43 =	vmul.f32 v17, v17;
	v44 =	vadd.f32 v17, v16;
	v46, _, _ =	vpop (xrf2);
	s14 =	smul.f32 s0, s0  }
0x81: {  	v19 =	vadd.f32 v53, v23;
	v23 =	vld [tilespmem:s3+$0x1960];
	(v2sf) =	vpush v46, $0xF  }
0x82: {  	v63 =	vld [tilespmem:s29+$0xFFFFFFA0];
	v54 =	vmul.f32 v18, v18;
	v22 =	vadd.f32 v43, v22;
	s4 =	ssub.f32 s5, s14  }
0x83: {  	v59 =	vld [tilespmem:s2+$0x1910];
	v0 =	vadd.f32 v58, v48;
	v55 =	vadd.f32 v18, v44  }
0x84: {  	v50 =	vld [tilespmem:s29+$0xFFFFFFB0];
	v20 =	vadd.f32 v20, v40;
	v39 =	vadd.f32 v54, v22;
	s3 =	sadd.f32 $9.999999740e-06, s4  }
0x85: {  	v49 =	vld [tilespmem:s2+$0x1920];
	v47 =	vmul.f32 v19, v19;
	v43 =	vadd.f32 v19, v55;
	v22 =	vadd.f32 v21, v42  }
0x86: {  	v21 =	vadd.f32 v23, v45;
	v23 =	vadd.f32 v57, v56;
	v57 =	vld [tilespmem:s2+$0x1930];
	[tilespmem:$0x1FF10] =	vst v0;
	s5 =	sshra.s32 s3, $0x1;
	s3 =	smul.f32 $5.000000000e-01, s3  }
0x87: {  	v60 =	vmul.f32 v20, v20;
	v39 =	vadd.f32 v47, v39;
	v58 =	vld [tilespmem:s2+$0x1940];
	s4 =	ssub.s32 $0x5F3759DF, s5  }
0x88: {  	v7 =	vadd.f32 v59, v61;
	v43 =	vadd.f32 v20, v43;
	v59 =	vld [tilespmem:s29+$0xFFFFFFC0];
	s9 =	smul.f32 s4, s3  }
0x89: {  	v62 =	vmul.f32 v22, v22;
	v39 =	vadd.f32 v60, v39  }
0x8a: {  	v2 =	vadd.f32 v49, v63;
	v61 =	vld [tilespmem:s2+$0x1950];
	v43 =	vadd.f32 v22, v43;
	s5 =	smul.f32 s4, s9  }
0x8b: {  	v63 =	vld [tilespmem:s29+$0xFFFFFFD0];
	v39 =	vadd.f32 v62, v39;
	v40 =	vadd.f32 v57, v50  }
0x8c: {  	v4 =	vmul.f32 v0, v0;
	v53 =	vld [tilespmem:s2+$0x1960];
	[tilespmem:$0x1FF20] =	vst v2;
	v56 =	vmul.f32 v21, v21;
	v43 =	vadd.f32 v21, v43;
	s12 =	spop (v2sf);
	s5 =	ssub.f32 $1.500000000e+00, s5  }
0x8d: {  	v5 =	vmul.f32 v7, v7;
	v62 =	vadd.f32 v7, v0;
	v58 =	vadd.f32 v58, v59;
	[tilespmem:$0x1FF30] =	vst v40;
	s12 =	smul.f32 $7.812500000e-03, s12  }
0x8e: {  	v52 =	vmul.f32 v23, v23;
	v51 =	vadd.f32 v56, v39;
	v43 =	vadd.f32 v23, v43;
	v42 =	vld [tilespmem:s29+$0xFFFFFFE0];
	s13 =	smul.f32 s4, s5  }
0x8f: {  	s10 =	rddreg [dreg:$0x7];
	v54 =	vadd.f32 v2, v62;
	v57 =	vld [tilespmem:s2+$0x1970];
	[tilespmem:$0x1FF40] =	vst v58;
	v39 =	vmov v2;
	s14 =	smul.f32 s12, s12  }
0x90: {  	v48 =	vadd.f32 v5, v4;
	v60 =	vadd.f32 v52, v51;
	(xrf2) =	vadd.scan.msk.f32 $0xffff, v43;
	v59 =	vld [tilespmem:s29+$0xFFFFFFF0];
	v43 =	vmul.f32 v39, v39;
	s5 =	spop (v2sf);
	s30 =	smul.f32 s13, s3  }
0x91: {  	v54 =	vadd.f32 v40, v54;
	s2 =	smul.f32 $7.812500000e-03, s5;
	s5 =	sadd.s32 $0x2, s10  }
0x92: {  	v61 =	vadd.f32 v61, v63;
	(xrf2) =	vadd.scan.msk.f32 $0xffff, v60;
	v60 =	vmul.f32 v40, v40;
	v48 =	vadd.f32 v43, v48;
	s4 =	sadd.s32 $0x3, s5  }
0x93: {  	v62 =	vadd.f32 v58, v54;
	v3 =	vadd.f32 v53, v42;
	s31 =	smul.f32 s30, s13;
	s2 =	ssub.f32 s2, s14;
	s14 =	sshll.u32 s4, $0x9  }
0x94: {  	v63 =	vmul.f32 v58, v58;
	[tilespmem:$0x1FF50] =	vst v61;
	v48 =	vadd.f32 v60, v48;
	s30 =	simm.s32 $0x7F80;
	p0 =	slt.u32 s4, $0xC8;
	s4 =	sadd.s32 $0xFFFE7000, s14  }
0x95: {  	v39 =	vmov v61;
	v49 =	vadd.f32 v61, v62;
	v42 =	vadd.f32 v57, v59;
	v43 =	vld [tilespmem:s30+$0x0];
	[tilespmem:$0x1FF60] =	vst v3;
	s4 =	smov.u32 @p0 s14  }
0x96: {  	v62 =	vmul.f32 v39, v39;
	v48 =	vadd.f32 v63, v48;
	v55 =	vld [tilespmem:s30+$0x10];
	s4 =	sshra.s32 s4, $0x2  }
0x97: {  	v49 =	vadd.f32 v3, v49;
	v57 =	vld [tilespmem:s4+$0x1900];
	[tilespmem:$0x1FF70] =	vst v42  }
0x98: {  	v0 =	vmul.f32 v3, v3;
	v51 =	vadd.f32 v62, v48;
	v58 =	vld [tilespmem:s4+$0x1910]  }
0x99: {  	v49 =	vadd.f32 v42, v49;
	v3 =	vld [tilespmem:s30+$0x20]  }
0x9a: {  	v56 =	vmov s12;
	v4 =	vmul.f32 v42, v42;
	s31 =	ssub.f32 $1.500000000e+00, s31;
	v5 =	vadd.f32 v0, v51;
	v59 =	vld [tilespmem:s4+$0x1920]  }
0x9b: {  	v47 =	vsub.f32 v33, v56;
	v54 =	vsub.f32 v35, v56;
	v40, _, _ =	vpop (xrf2);
	(xrf2) =	vadd.scan.msk.f32 $0xffff, v49;
	v35 =	vld [tilespmem:s30+$0x30]  }
0x9c: {  	v50 =	vsub.f32 v34, v56;
	s12 =	smul.f32 s31, s13;
	v33 =	vadd.f32 v4, v5;
	v34 =	vld [tilespmem:s4+$0x1930]  }
0x9d: {  	v52 =	vsub.f32 v38, v56;
	s2 =	sadd.f32 $9.999999740e-06, s2;
	v38 =	vld [tilespmem:s30+$0x40]  }
0x9e: {  	v63, _, _ =	vpop (xrf2);
	s3 =	smul.f32 s12, s3;
	(xrf2) =	vadd.scan.msk.f32 $0xffff, v33;
	v33 =	vld [tilespmem:s4+$0x1940]  }
0x9f: {  	v48 =	vsub.f32 v36, v56;
	v49 =	vsub.f32 v41, v56;
	s9 =	sshra.s32 s2, $0x1;
	s2 =	smul.f32 $5.000000000e-01, s2;
	v61 =	vld [tilespmem:s30+$0x50]  }
0xa0: {  	(v2sf) =	vpush v40, $0xF;
	v51 =	vsub.f32 v37, v56;
	v37 =	vmov s0;
	s13 =	ssub.s32 $0x5F3759DF, s9;
	v45 =	vld [tilespmem:s4+$0x1950];
	s3 =	smul.f32 s3, s12  }
0xa1: {  	v31 =	vsub.f32 v31, v37;
	v29 =	vsub.f32 v29, v37;
	v5 =	vld [tilespmem:s4+$0x1960];
	s10 =	smul.f32 s13, s2  }
0xa2: {  	v36 =	vsub.f32 v24, v37;
	(v2sf) =	vpush v63, $0xF;
	v63 =	vld [tilespmem:s30+$0x70];
	s3 =	ssub.f32 $1.500000000e+00, s3  }
0xa3: {  	v60 =	vsub.f32 v26, v37;
	v46 =	vld [tilespmem:s4+$0x1970];
	s14 =	smul.f32 s13, s10;
	s10 =	sadd.s32 $0x2, s5;
	v26 =	vadd.f32 v57, v43  }
0xa4: {  	v30 =	vsub.f32 v30, v37;
	v42 =	vsub.f32 v27, v37;
	s0 =	sshll.u32 s10, $0x9;
	v57 =	vld [tilespmem:s30+$0x60];
	s12 =	smul.f32 s3, s12  }
0xa5: {  	p0 =	slt.u32 s10, $0xC8;
	v43 =	vld [tilespmem:$0x1FFF0];
	v24 =	vadd.f32 v58, v55;
	v27 =	vadd.f32 v59, v3;
	v25, _, _ =	vpop (xrf2);
	s3 =	sadd.s32 $0xFFFE7000, s0;
	v4 =	vmul.f32 v26, v26  }
0xa6: {  	(v2sf) =	vpush v25, $0xF;
	s3 =	smov.u32 @p0 s0;
	v41 =	vmul.f32 s12, v29;
	v29 =	vsub.f32 v28, v37;
	v28 =	vld [tilespmem:s30+$0xFFFFFF80]  }
0xa7: {  	v25 =	vsub.f32 v1, v37;
	v58 =	vmul.f32 v24, v24;
	s0 =	sshra.s32 s3, $0x2;
	v37 =	vadd.f32 v45, v61;
	v61 =	vld [tilespmem:s30+$0xFFFFFF90]  }
0xa8: {  	v53 =	vsub.f32 v32, v56;
	v31 =	vmul.f32 s12, v31;
	v56 =	vmul.f32 s12, v36;
	v36 =	vld [tilespmem:s0+$0x1900]  }
0xa9: {  	v44 =	vmul.f32 v27, v27;
	v39 =	vld [tilespmem:s0+$0x1920]  }
0xaa: {  	s9 =	ssub.f32 $1.500000000e+00, s14;
	v32 =	vadd.f32 v58, v4;
	v4 =	vld [tilespmem:s30+$0xFFFFFFA0];
	v62 =	vmul.f32 v31, v43;
	v31 =	vadd.f32 v34, v35  }
0xab: {  	v55 =	vmul.f32 s12, v42;
	v34 =	vld [tilespmem:s0+$0x1910];
	v43 =	vmul.f32 s12, v29;
	v29 =	vadd.f32 v24, v26  }
0xac: {  	s5 =	smul.f32 s13, s9;
	v42 =	vmul.f32 s12, v30;
	v30 =	vld [tilespmem:s0+$0x1930];
	v32 =	vadd.f32 v44, v32;
	v0 =	vmul.f32 v31, v31  }
0xad: {  	v59 =	vmul.f32 s12, v25;
	v58 =	vld [tilespmem:s30+$0xFFFFFFB0];
	v35 =	vadd.f32 v33, v38;
	v25 =	vadd.f32 v27, v29  }
0xae: {  	s13 =	smul.f32 s5, s2;
	v32 =	vadd.f32 v0, v32;
	v0 =	vld [tilespmem:$0x1FF80]  }
0xaf: {  	v2 =	vmul.f32 v35, v35;
	v44 =	vadd.f32 v31, v25;
	v25 =	vadd.f32 v36, v28;
	v36 =	vld [tilespmem:s0+$0x1940]  }
0xb0: {  	s4 =	smul.f32 s13, s5;
	s14 =	spop (v2sf);
	v28 =	vadd.f32 v34, v61;
	v34 =	vld [tilespmem:s30+$0xFFFFFFC0]  }
0xb1: {  	v38 =	vadd.f32 v5, v57;
	v3 =	vmul.f32 v37, v37;
	v33 =	vld [tilespmem:s0+$0x1950];
	s3 =	smul.f32 $7.812500000e-03, s14;
	v32 =	vadd.f32 v2, v32  }
0xb2: {  	v45 =	vadd.f32 v46, v63;
	s9 =	spop (v2sf);
	s4 =	ssub.f32 $1.500000000e+00, s4;
	v63 =	vmul.f32 v25, v25;
	v2 =	vld [tilespmem:$0x1FFA0];
	v29 =	vmul.f32 v28, v28  }
0xb3: {  	v5 =	vmul.f32 v38, v38;
	s13 =	smul.f32 $7.812500000e-03, s9;
	v32 =	vadd.f32 v3, v32;
	v3 =	vld [tilespmem:$0x1FFB0]  }
0xb4: {  	s5 =	smul.f32 s4, s5;
	v41 =	vmul.f32 v41, v0;
	v57 =	vadd.f32 v29, v63;
	v63 =	vld [tilespmem:s0+$0x1960];
	v29 =	vadd.f32 v30, v58  }
0xb5: {  	v46 =	vmul.f32 v45, v45;
	s10 =	smul.f32 s3, s3;
	v32 =	vadd.f32 v5, v32;
	v30 =	vadd.f32 v36, v34;
	v34 =	vld [tilespmem:s30+$0xFFFFFFE0]  }
0xb6: {  	s2 =	smul.f32 s5, s2;
	v5 =	vld [tilespmem:$0x1FFD0];
	v61 =	vadd.f32 v41, v8;
	v41 =	vadd.f32 v35, v44  }
0xb7: {  	v1, _, _ =	vpop (xrf2);
	s13 =	ssub.f32 s13, s10;
	v40 =	vadd.f32 v46, v32;
	v32 =	vadd.f32 v39, v4;
	v4 =	vld [tilespmem:$0x1FFC0]  }
0xb8: {  	v60 =	vmul.f32 s12, v60;
	(v2sf) =	vpush v1, $0xF;
	s2 =	smul.f32 s2, s5;
	v39 =	vld [tilespmem:s30+$0xFFFFFFD0]  }
0xb9: {  	v6 =	vld [tilespmem:$0x1FFE0];
	s13 =	sadd.f32 $9.999999740e-06, s13;
	v55 =	vmul.f32 v55, v3;
	v41 =	vadd.f32 v37, v41  }
0xba: {  	v62 =	vadd.f32 v62, v15;
	v60 =	vmul.f32 v60, v2;
	s2 =	ssub.f32 $1.500000000e+00, s2;
	v58 =	vmul.f32 v32, v32  }
0xbb: {  	s4 =	smul.f32 $5.000000000e-01, s13;
	v46 =	vadd.f32 v55, v11;
	v41 =	vadd.f32 v38, v41;
	v42 =	vmul.f32 v42, v5  }
0xbc: {  	v1 =	vld [tilespmem:$0x1FF90];
	s14 =	sshra.s32 s13, $0x1;
	s2 =	smul.f32 s2, s5;
	v34 =	vadd.f32 v63, v34;
	v57 =	vadd.f32 v58, v57;
	v36 =	vmul.f32 v43, v4  }
0xbd: {  	s12 =	ssub.s32 $0x5F3759DF, s14;
	v43 =	vadd.f32 v60, v10;
	v60 =	vmul.f32 v29, v29;
	v33 =	vadd.f32 v33, v39  }
0xbe: {  	s9 =	smul.f32 s12, s4;
	v58 =	vld [tilespmem:s30+$0xFFFFFFF0];
	v39 =	vmul.f32 v59, v6;
	v41 =	vadd.f32 v45, v41;
	v59 =	vmul.f32 s2, v53  }
0xbf: {  	v53 =	vmul.f32 v30, v30;
	v55 =	vadd.f32 v36, v12;
	v36 =	vld [tilespmem:s0+$0x1970];
	v57 =	vadd.f32 v60, v57  }
0xc0: {  	s13 =	smul.f32 s12, s9;
	v63 =	vadd.f32 v42, v13;
	v42 =	vmul.f32 s2, v47;
	v47 =	vmul.f32 s2, v51;
	v51 =	vld [tilespmem:$0x1FF10]  }
0xc1: {  	v56 =	vmul.f32 v56, v1;
	s14 =	spop (v2sf);
	v60 =	vadd.f32 v53, v57;
	v53 =	vadd.f32 v28, v25  }
0xc2: {  	s10 =	ssub.f32 $1.500000000e+00, s13;
	s13 =	smul.f32 $7.812500000e-03, s14;
	[tilespmem:s28+$0x70] =	vst v62;
	(xrf2) =	vadd.scan.msk.f32 $0xffff, v41  }
0xc3: {  	v44 =	vadd.f32 v56, v9;
	[tilespmem:s28+$0x0] =	vst v61;
	(xrf2) =	vadd.scan.msk.f32 $0xffff, v40;
	v40 =	vadd.f32 v32, v53  }
0xc4: {  	v53 =	vmul.f32 s2, v49;
	v49 =	vld [tilespmem:$0x1FF20];
	v36 =	vadd.f32 v36, v58;
	v58 =	vmov s13  }
0xc5: {  	v56 =	vadd.f32 v39, v14;
	v39 =	vsub.f32 v51, v58;
	v51 =	vld [tilespmem:$0x1FF30]  }
0xc6: {  	s5 =	smul.f32 s12, s10  }
0xc7: {  	s9 =	spop (v2sf);
	s0 =	smul.f32 s13, s13  }
0xc8: {  	v54 =	vmul.f32 s2, v54;
	s12 =	smul.f32 $7.812500000e-03, s9;
	[tilespmem:s28+$0x10] =	vst v44  }
0xc9: {  	s10 =	smul.f32 s5, s4;
	v62 =	vadd.f32 v29, v40;
	[tilespmem:s28+$0x20] =	vst v43;
	v40 =	vsub.f32 v49, v58  }
0xca: {  	s0 =	ssub.f32 s12, s0;
	v49 =	vmul.f32 v42, v1;
	v42 =	vsub.f32 v51, v58;
	v51 =	vmul.f32 v54, v3;
	v54 =	vld [tilespmem:$0x1FF40]  }
0xcb: {  	s14 =	smul.f32 s10, s5  }
0xcc: {  	s0 =	sadd.f32 $9.999999740e-06, s0;
	v61 =	vld [tilespmem:$0x1FF50];
	[tilespmem:s28+$0x30] =	vst v46  }
0xcd: {  	v57 =	vmul.f32 s2, v48;
	v48 =	vmul.f32 v59, v0;
	s9 =	ssub.f32 $1.500000000e+00, s14;
	v59 =	vadd.f32 v30, v62;
	v62 =	vld [tilespmem:$0x1FF60]  }
0xce: {  	v50 =	vmul.f32 s2, v50;
	v52 =	vmul.f32 s2, v52;
	s10 =	sshra.s32 s0, $0x1;
	s2 =	smul.f32 $5.000000000e-01, s0;
	[tilespmem:s28+$0x40] =	vst v55  }
0xcf: {  	s5 =	smul.f32 s9, s5;
	s13 =	ssub.s32 $0x5F3759DF, s10;
	v44 =	vsub.f32 v54, v58;
	v54 =	vmul.f32 v57, v4;
	v4 =	vld [tilespmem:$0x1FF70]  }
0xd0: {  	s14 =	smul.f32 s13, s2  }
0xd1: {  	v50 =	vmul.f32 v50, v2;
	v41 =	vsub.f32 v7, v58;
	s12 =	smul.f32 s5, s4;
	v59 =	vadd.f32 v33, v59  }
0xd2: {  	v52 =	vmul.f32 v52, v6;
	s4 =	smul.f32 s13, s14;
	v43 =	vsub.f32 v61, v58;
	v46 =	vsub.f32 v62, v58;
	v62, _, _ =	vpop (xrf2)  }
0xd3: {  	s0 =	smul.f32 s12, s5;
	v61 =	vmul.f32 v33, v33;
	v55 =	vmul.f32 v47, v5;
	(v2sf) =	vpush v62, $0xF;
	v5, _, _ =	vpop (xrf2)  }
0xd4: {  	s31 =	sshll.u32 s25, $0x8;
	s14 =	ssub.f32 $1.500000000e+00, s4;
	v57 =	vmul.f32 v34, v34;
	[tilespmem:s28+$0x50] =	vst v63;
	(v2sf) =	vpush v5, $0xF;
	v47 =	vsub.f32 v4, v58  }
0xd5: {  	s4 =	simm.s32 $0x7F80;
	s12 =	ssub.f32 $1.500000000e+00, s0;
	s0 =	simm.s32 $0x4;
	[tilespmem:s28+$0x60] =	vst v56;
	v56 =	vmov s3;
	v58 =	vadd.f32 v34, v59;
	v59 =	vadd.f32 v61, v60  }
.LBB2_3:
0xd6: {  	v0 =	vld [tilespmem:$0x1FFF0]  }
0xd7: {  	v1 =	vld [tilespmem:$0x1FF90]  }
0xd8: {  	v61 =	vsub.f32 v23, v56;
	v63 =	vsub.f32 v16, v56;
	v6 =	vld [tilespmem:$0x1FFD0];
	s5 =	smul.f32 s12, s5  }
0xd9: {  	v16 =	vmovc v26;
	v26 =	vsub.f32 v17, v56;
	s30 =	sadd.s32 $0x100, s30;
	v7 =	vld [tilespmem:$0x1FFE0];
	v60 =	vmul.f32 v36, v36;
	v62 =	vadd.f32 v57, v59  }
0xda: {  	s9 =	rddreg [dreg:$0x7];
	v5 =	vsub.f32 v19, v56;
	v19 =	vmovc v31;
	v31 =	vsub.f32 v22, v56;
	v57 =	vld [tilespmem:s30+$0x10];
	v3 =	vmul.f32 s5, v61  }
0xdb: {  	v17 =	vmovc v24;
	s9 =	sadd.s32 s0, s9;
	v24 =	vadd.f32 v60, v62;
	v60 =	vsub.f32 v21, v56;
	v21 =	vmov v38;
	v38 =	vld [tilespmem:s30+$0x0]  }
0xdc: {  	s3 =	smul.f32 s13, s14;
	s10 =	sadd.s32 $0x2, s9;
	s9 =	sadd.s32 $0x3, s9;
	v61 =	vmul.f32 s5, v5;
	v5 =	vld [tilespmem:$0x1FFC0];
	v59 =	vmul.f32 v3, v0  }
0xdd: {  	s14 =	sshll.u32 s9, $0x9;
	v31 =	vmul.f32 s5, v31;
	v53 =	vmul.f32 v53, v0;
	v0 =	vld [tilespmem:$0x1FF80]  }
0xde: {  	v58 =	vadd.f32 v36, v58;
	s12 =	smul.f32 s3, s2;
	p2 =	slt.u32 s9, $0xC8;
	s9 =	sadd.s32 $0xFFFE7000, s14;
	v3 =	vld [tilespmem:$0x1FFA0];
	v62 =	vadd.f32 v59, v15  }
0xdf: {  	v48 =	vadd.f32 v48, v8;
	v49 =	vadd.f32 v49, v9;
	s9 =	smov.u32 @p2 s14;
	v59 =	vmul.f32 v31, v6;
	v31 =	vld [tilespmem:s30+$0x20]  }
0xe0: {  	(xrf2) =	vadd.scan.msk.f32 $0xffff, v58;
	v4 =	vmul.f32 s5, v63;
	s14 =	smul.f32 s12, s3;
	s12 =	sshra.s32 s9, $0x2;
	[tilespmem:s29+$0x70] =	vst v62;
	v62 =	vadd.f32 v53, v15;
	v53 =	vld [tilespmem:s30+$0x30]  }
0xe1: {  	v2 =	vsub.f32 v18, v56;
	v18 =	vmov v27;
	v27 =	vsub.f32 v20, v56;
	[tilespmem:s28+$0xFFFFFF80] =	vst v48;
	v56 =	vld [tilespmem:s12+$0x1900]  }
0xe2: {  	v23 =	vmov v45;
	[tilespmem:s28+$0xFFFFFF90] =	vst v49;
	v48 =	vadd.f32 v55, v13;
	s13 =	sshll.u32 s10, $0x9;
	s14 =	ssub.f32 $1.500000000e+00, s14;
	v45 =	vmul.f32 v4, v0;
	v4 =	vld [tilespmem:$0x1FFB0]  }
0xe3: {  	v20 =	vmovc v35;
	p1 =	slt.u32 s10, $0xC8;
	v27 =	vmul.f32 s5, v27;
	v63 =	vadd.f32 v50, v10;
	s10 =	sadd.s32 $0xFFFE7000, s13;
	(xrf2) =	vadd.scan.msk.f32 $0xffff, v24;
	v35 =	vmul.f32 s5, v60;
	v50 =	vld [tilespmem:s12+$0x1910]  }
0xe4: {  	[tilespmem:s28+$0xFFFFFFD0] =	vst v48;
	v24 =	vmul.f32 s5, v26;
	v26 =	vmul.f32 s5, v2;
	s10 =	smov.u32 @p1 s13;
	v2 =	vadd.f32 v54, v12;
	s13 =	smul.f32 s14, s3;
	v60 =	vld [tilespmem:s12+$0x1920]  }
0xe5: {  	[tilespmem:s28+$0xFFFFFFA0] =	vst v63;
	v49 =	vmul.f32 v35, v7;
	v58 =	vmul.f32 v27, v5;
	v27 =	vadd.f32 v51, v11;
	v35 =	vld [tilespmem:s12+$0x1930]  }
0xe6: {  	[tilespmem:s28+$0xFFFFFFC0] =	vst v2;
	v26 =	vmul.f32 v26, v3;
	s2 =	smul.f32 s13, s2  }
0xe7: {  	v24 =	vmul.f32 v24, v1;
	[tilespmem:s28+$0xFFFFFFB0] =	vst v27;
	v27 =	vadd.f32 v52, v14;
	v48 =	vld [tilespmem:s30+$0x50];
	v45 =	vadd.f32 v45, v8  }
0xe8: {  	s5 =	sshra.s32 s10, $0x2;
	[tilespmem:s28+$0xFFFFFFF0] =	vst v62;
	v2 =	vadd.f32 v26, v10;
	s9 =	spop (v2sf);
	s2 =	smul.f32 s2, s13;
	v26 =	vadd.f32 v56, v38;
	v38 =	vld [tilespmem:s30+$0x40]  }
0xe9: {  	v22 =	vmov v37;
	v63 =	vadd.f32 v24, v9;
	[tilespmem:s28+$0xFFFFFFE0] =	vst v27;
	s28 =	smov.u32 s29;
	s3 =	smul.f32 $7.812500000e-03, s9;
	s10 =	spop (v2sf);
	v24 =	vadd.f32 v50, v57;
	v50 =	vld [tilespmem:s12+$0x1940]  }
0xea: {  	v37 =	vmul.f32 v61, v4;
	v61, _, _ =	vpop (xrf2);
	s9 =	smul.f32 $7.812500000e-03, s10;
	v27 =	vadd.f32 v60, v31;
	[tilespmem:s28+$0x0] =	vst v45;
	v31 =	vadd.f32 v35, v53;
	v53 =	vld [tilespmem:s30+$0x60];
	s2 =	ssub.f32 $1.500000000e+00, s2  }
0xeb: {  	(v2sf) =	vpush v61, $0xF;
	s14 =	smul.f32 s3, s3;
	v45 =	vld [tilespmem:s12+$0x1950];
	[tilespmem:s28+$0x10] =	vst v63  }
0xec: {  	v56 =	vld [tilespmem:s5+$0x1900];
	v63 =	vadd.f32 v58, v12;
	[tilespmem:s28+$0x20] =	vst v2;
	s2 =	smul.f32 s2, s13  }
0xed: {  	v57, _, _ =	vpop (xrf2);
	v37 =	vadd.f32 v37, v11;
	v60 =	vadd.f32 v24, v26;
	v55 =	vld [tilespmem:s12+$0x1960]  }
0xee: {  	(v2sf) =	vpush v57, $0xF;
	v61 =	vmul.f32 v26, v26;
	s9 =	ssub.f32 s9, s14;
	v54 =	vmul.f32 s2, v42;
	v42 =	vld [tilespmem:s5+$0x1920]  }
0xef: {  	v62 =	vmul.f32 v24, v24;
	v51 =	vadd.f32 v27, v60;
	[tilespmem:s28+$0x30] =	vst v37;
	v58 =	vmul.f32 s2, v44;
	v44 =	vld [tilespmem:s30+$0xFFFFFFA0]  }
0xf0: {  	s9 =	sadd.f32 $9.999999740e-06, s9;
	v35 =	vadd.f32 v50, v38;
	v50 =	vld [tilespmem:s30+$0x70];
	[tilespmem:s28+$0x40] =	vst v63  }
0xf1: {  	v2 =	vmul.f32 v27, v27;
	v52 =	vadd.f32 v62, v61;
	v60 =	vadd.f32 v31, v51;
	v51 =	vld [tilespmem:s12+$0x1970]  }
0xf2: {  	v59 =	vadd.f32 v59, v13;
	v37 =	vadd.f32 v45, v48;
	v48 =	vld [tilespmem:s5+$0x1910];
	s13 =	sshra.s32 s9, $0x1;
	s12 =	smul.f32 $5.000000000e-01, s9  }
0xf3: {  	v49 =	vadd.f32 v49, v14;
	v61 =	vmul.f32 v31, v31;
	v52 =	vadd.f32 v2, v52;
	v2 =	vld [tilespmem:s30+$0xFFFFFF80];
	s9 =	ssub.s32 $0x5F3759DF, s13  }
0xf4: {  	v39 =	vmul.f32 s2, v39;
	v57 =	vmul.f32 s2, v41;
	v62 =	vadd.f32 v35, v60;
	v60 =	vld [tilespmem:s30+$0xFFFFFF90];
	s10 =	smul.f32 s9, s12  }
0xf5: {  	v63 =	vmul.f32 v35, v35;
	v38 =	vadd.f32 v55, v53;
	v52 =	vadd.f32 v61, v52  }
0xf6: {  	[tilespmem:s28+$0x50] =	vst v59;
	v55 =	vmul.f32 s2, v40;
	v44 =	vadd.f32 v42, v44;
	v59 =	vadd.f32 v37, v62;
	s10 =	smul.f32 s9, s10  }
0xf7: {  	v61 =	vmul.f32 v37, v37;
	v52 =	vadd.f32 v63, v52;
	v45 =	vadd.f32 v51, v50  }
0xf8: {  	[tilespmem:s28+$0x60] =	vst v49;
	v53 =	vmul.f32 s2, v47;
	v41 =	vadd.f32 v56, v2;
	v49 =	vadd.f32 v38, v59;
	s10 =	ssub.f32 $1.500000000e+00, s10  }
0xf9: {  	v63 =	vmul.f32 v38, v38;
	v62 =	vadd.f32 v61, v52;
	v51 =	vadd.f32 v48, v60  }
0xfa: {  	v56 =	vld [tilespmem:s5+$0x1940];
	v52 =	vmul.f32 s2, v43;
	v59 =	vmul.f32 s2, v46;
	v49 =	vadd.f32 v45, v49;
	s2 =	smul.f32 s9, s10;
	s14 =	spop (v2sf)  }
0xfb: {  	v43 =	vld [tilespmem:s5+$0x1930];
	v47 =	vadd.f32 v63, v62;
	v62 =	vmul.f32 v41, v41;
	v50 =	vmul.f32 v51, v51;
	s13 =	smul.f32 $7.812500000e-03, s14  }
0xfc: {  	v46 =	vld [tilespmem:s30+$0xFFFFFFB0];
	v2 =	vmul.f32 v45, v45;
	(xrf2) =	vadd.scan.msk.f32 $0xffff, v49;
	v49 =	vmul.f32 v57, v1;
	s14 =	smul.f32 s2, s12  }
0xfd: {  	v61 =	vld [tilespmem:s30+$0xFFFFFFC0];
	v1 =	vmul.f32 v44, v44;
	v62 =	vadd.f32 v50, v62;
	s9 =	smul.f32 s13, s13;
	v60 =	vmov s13;
	s13 =	spop (v2sf)  }
0xfe: {  	v48 =	vmul.f32 v39, v0;
	v63 =	vld [tilespmem:s30+$0xFFFFFFD0];
	v0 =	vadd.f32 v2, v47;
	s10 =	smul.f32 $7.812500000e-03, s13  }
0xff: {  	v47 =	vld [tilespmem:s5+$0x1950];
	v1 =	vadd.f32 v1, v62;
	v39 =	vsub.f32 v25, v60;
	s13 =	smul.f32 s14, s2  }
0x100: {  	(xrf2) =	vadd.scan.msk.f32 $0xffff, v0;
	v25 =	vmov v41;
	v41 =	vsub.f32 v28, v60;
	v40 =	vsub.f32 v32, v60;
	s9 =	ssub.f32 s10, s9  }
0x101: {  	v57 =	vld [tilespmem:s5+$0x1960];
	v42 =	vsub.f32 v29, v60;
	v2 =	vadd.f32 v51, v25;
	s14 =	ssub.f32 $1.500000000e+00, s13  }
0x102: {  	v29 =	vadd.f32 v43, v46;
	v46 =	vadd.f32 v56, v61;
	v56 =	vld [tilespmem:s5+$0x1970];
	s9 =	sadd.f32 $9.999999740e-06, s9  }
0x103: {  	v50 =	vmul.f32 v55, v3;
	v61 =	vld [tilespmem:s30+$0xFFFFFFF0];
	v43 =	vsub.f32 v33, v60;
	v0 =	vadd.f32 v44, v2;
	s5 =	smul.f32 s14, s2  }
0x104: {  	v28 =	vmovc v51;
	v51 =	vmul.f32 v54, v4;
	v33 =	vadd.f32 v47, v63;
	v62 =	vmul.f32 v29, v29;
	v2 =	vld [tilespmem:s30+$0xFFFFFFE0];
	s13 =	sshra.s32 s9, $0x1;
	s2 =	smul.f32 $5.000000000e-01, s9  }
0x105: {  	s0 =	sadd.s32 $0x2, s0;
	v32 =	vmovc v44;
	v54 =	vmul.f32 v58, v5;
	v47 =	vsub.f32 v36, v60;
	v0 =	vadd.f32 v29, v0;
	s14 =	smul.f32 s5, s12;
	s13 =	ssub.s32 $0x5F3759DF, s13  }
0x106: {  	p0 =	slt.u32 s0, $0x7E;
	v55 =	vmul.f32 v46, v46;
	v44 =	vsub.f32 v30, v60;
	v30 =	vmovc v46;
	v1 =	vadd.f32 v62, v1;
	s10 =	smul.f32 s13, s2  }
.Ltmp0:
0x107: {  	v46 =	vsub.f32 v34, v60;
	v62 =	vmul.f32 v33, v33;
	v0 =	vadd.f32 v30, v0;
	(pc) =	sbr.rel @p0 .LBB2_3-.Ltmp0, $4  }
0x108: {  	v36 =	vadd.f32 v56, v61;
	v56 =	vmov s3;
	v1 =	vadd.f32 v55, v1;
	s9 =	smul.f32 s14, s5  }
0x109: {  	v4, _, _ =	vpop (xrf2);
	v55 =	vmul.f32 v52, v6;
	v34 =	vadd.f32 v57, v2;
	v5 =	vadd.f32 v33, v0;
	s10 =	smul.f32 s13, s10  }
0x10a: {  	v52 =	vmul.f32 v59, v7;
	(v2sf) =	vpush v4, $0xF;
	v63, _, _ =	vpop (xrf2);
	v59 =	vadd.f32 v62, v1;
	s12 =	ssub.f32 $1.500000000e+00, s9  }
0x10b: {  	s29 =	smov.u32 s4;
	s4 =	smov.u32 s30;
	(v2sf) =	vpush v63, $0xF;
	v57 =	vmul.f32 v34, v34;
	v58 =	vadd.f32 v34, v5;
	s14 =	ssub.f32 $1.500000000e+00, s10  }
0x10c: {  	_ = 	snop  }
0x10d: {  	v0 =	vadd.f32 v36, v58;
	_ =	sdelay $0x1  }
0x10e: {  	v1 =	vmul.f32 v36, v36;
	v2 =	vadd.f32 v57, v59;
	(xrf2) =	vadd.scan.msk.f32 $0xffff, v0;
	_ =	sdelay $0x1  }
0x10f: {  	v63 =	vadd.f32 v1, v2;
	_ =	sdelay $0x1  }
0x110: {  	(xrf2) =	vadd.scan.msk.f32 $0xffff, v63;
	_ =	sdelay $0x5  }
0x111: {  	v4, _, _ =	vpop (xrf2)  }
0x112: {  	s0 =	spop (v2sf);
	(v2sf) =	vpush v4, $0xF  }
0x113: {  	s0 =	smul.f32 $7.812500000e-03, s0;
	s3 =	spop (v2sf)  }
0x114: {  	s3 =	smul.f32 $7.812500000e-03, s3  }
0x115: {  	v5, _, _ =	vpop (xrf2);
	s9 =	smul.f32 s0, s0  }
0x116: {  	s10 =	smul.f32 s13, s14;
	(v2sf) =	vpush v5, $0xF  }
0x117: {  	s3 =	ssub.f32 s3, s9  }
0x118: {  	s14 =	smul.f32 s10, s2  }
0x119: {  	s3 =	sadd.f32 $9.999999740e-06, s3  }
0x11a: {  	s9 =	smul.f32 s14, s10  }
0x11b: {  	s13 =	sshra.s32 s3, $0x1;
	s14 =	smul.f32 $5.000000000e-01, s3  }
0x11c: {  	s3 =	smul.f32 s12, s5;
	s12 =	ssub.f32 $1.500000000e+00, s9;
	s9 =	ssub.s32 $0x5F3759DF, s13  }
0x11d: {  	s13 =	smul.f32 s9, s14  }
0x11e: {  	s5 =	smul.f32 s12, s10  }
0x11f: {  	v7 =	vld [tilespmem:$0x1FFF0];
	s13 =	smul.f32 s9, s13  }
0x120: {  	v57 =	vsub.f32 v23, v56;
	s12 =	smul.f32 s5, s2  }
0x121: {  	s10 =	ssub.f32 $1.500000000e+00, s13;
	s13 =	spop (v2sf)  }
0x122: {  	v0 =	vmul.f32 s3, v57;
	s2 =	smul.f32 $7.812500000e-03, s13  }
0x123: {  	s9 =	smul.f32 s9, s10  }
0x124: {  	v58 =	vsub.f32 v16, v56;
	v59 =	vsub.f32 v17, v56;
	v0 =	vmul.f32 v0, v7;
	s10 =	smul.f32 s2, s2  }
0x125: {  	v16 =	vsub.f32 v18, v56;
	v17 =	vsub.f32 v19, v56;
	s13 =	spop (v2sf);
	s30 =	smul.f32 s9, s14  }
0x126: {  	v18 =	vsub.f32 v20, v56;
	v0 =	vadd.f32 v0, v15;
	s13 =	smul.f32 $7.812500000e-03, s13  }
0x127: {  	v19 =	vsub.f32 v22, v56;
	v20 =	vsub.f32 v21, v56;
	v56 =	vld [tilespmem:$0x1FF90];
	s12 =	smul.f32 s12, s5  }
0x128: {  	v61 =	vadd.f32 v51, v11;
	v62 =	vadd.f32 v55, v13;
	v21 =	vmul.f32 v53, v7;
	v57 =	vld [tilespmem:$0x1FF80];
	[tilespmem:s29+$0x70] =	vst v0;
	s10 =	ssub.f32 s13, s10;
	s13 =	smul.f32 s30, s9  }
0x129: {  	v22 =	vadd.f32 v48, v8;
	v23 =	vadd.f32 v49, v9;
	s12 =	ssub.f32 $1.500000000e+00, s12;
	v53 =	vld [tilespmem:$0x1FFA0]  }
0x12a: {  	v21 =	vadd.f32 v21, v15;
	v1 =	vmul.f32 s3, v58;
	v2 =	vmul.f32 s3, v59;
	s13 =	ssub.f32 $1.500000000e+00, s13  }
0x12b: {  	v49 =	vmov s0;
	v16 =	vmul.f32 s3, v16;
	v17 =	vmul.f32 s3, v17;
	s5 =	smul.f32 s12, s5;
	s10 =	sadd.f32 $9.999999740e-06, s10  }
0x12c: {  	v51 =	vsub.f32 v45, v49;
	v18 =	vmul.f32 s3, v18;
	v19 =	vmul.f32 s3, v19;
	s9 =	smul.f32 s13, s9  }
0x12d: {  	v24 =	vsub.f32 v24, v49;
	v20 =	vmul.f32 s3, v20;
	v2 =	vmul.f32 v2, v56;
	s13 =	sshra.s32 s10, $0x1;
	s3 =	smul.f32 $5.000000000e-01, s10  }
0x12e: {  	v1 =	vmul.f32 v1, v57;
	v6 =	vld [tilespmem:$0x1FFB0];
	[tilespmem:s28+$0xFFFFFF80] =	vst v22;
	v60 =	vmul.f32 v16, v53;
	v16 =	vadd.f32 v50, v10;
	s10 =	ssub.s32 $0x5F3759DF, s13;
	s13 =	smul.f32 s9, s14  }
0x12f: {  	v27 =	vsub.f32 v27, v49;
	v2 =	vadd.f32 v2, v9;
	v5 =	vld [tilespmem:$0x1FFC0];
	[tilespmem:s28+$0xFFFFFF90] =	vst v23;
	s14 =	smul.f32 s10, s3  }
0x130: {  	v22 =	vadd.f32 v54, v12;
	v1 =	vadd.f32 v1, v8;
	v54 =	vmov s2;
	v4 =	vld [tilespmem:$0x1FFD0];
	[tilespmem:s28+$0xFFFFFFA0] =	vst v16;
	s12 =	smul.f32 s13, s9  }
0x131: {  	v23 =	vadd.f32 v52, v14;
	v55 =	vsub.f32 v25, v54;
	v3 =	vld [tilespmem:$0x1FFE0];
	[tilespmem:s28+$0xFFFFFFB0] =	vst v61;
	s13 =	smul.f32 s10, s14  }
0x132: {  	v25 =	vsub.f32 v28, v54;
	v58 =	vsub.f32 v32, v54;
	v63 =	vmul.f32 s5, v40;
	[tilespmem:s28+$0xFFFFFFC0] =	vst v22  }
0x133: {  	v29 =	vsub.f32 v29, v54;
	v48 =	vmul.f32 s5, v44;
	v17 =	vmul.f32 v17, v6;
	[tilespmem:s28+$0xFFFFFFD0] =	vst v62;
	s13 =	ssub.f32 $1.500000000e+00, s13  }
0x134: {  	v59 =	vsub.f32 v34, v54;
	v52 =	vmul.f32 s5, v47;
	v18 =	vmul.f32 v18, v5;
	[tilespmem:s28+$0xFFFFFFE0] =	vst v23  }
0x135: {  	v50 =	vmul.f32 s5, v46;
	v19 =	vmul.f32 v19, v4;
	v17 =	vadd.f32 v17, v11;
	[tilespmem:s28+$0xFFFFFFF0] =	vst v21;
	s13 =	smul.f32 s10, s13  }
0x136: {  	v0 =	vadd.f32 v60, v10;
	v18 =	vadd.f32 v18, v12;
	v22 =	vmul.f32 s5, v41;
	[tilespmem:s29+$0x0] =	vst v1  }
0x137: {  	v23 =	vmul.f32 s5, v42;
	v21 =	vmul.f32 s5, v43;
	v19 =	vadd.f32 v19, v13;
	[tilespmem:s29+$0x30] =	vst v17;
	s14 =	smul.f32 s13, s3  }
0x138: {  	v60 =	vsub.f32 v36, v54;
	v1 =	vmul.f32 v52, v7;
	v22 =	vmul.f32 v22, v56;
	[tilespmem:s29+$0x40] =	vst v18  }
0x139: {  	v17 =	vsub.f32 v30, v54;
	v18 =	vmul.f32 v63, v53;
	[tilespmem:s29+$0x50] =	vst v19;
	v19 =	vmul.f32 v23, v6;
	s12 =	ssub.f32 $1.500000000e+00, s12;
	s2 =	smul.f32 s14, s13  }
0x13a: {  	[tilespmem:s29+$0x10] =	vst v2;
	v1 =	vadd.f32 v1, v15;
	v16 =	vmul.f32 v20, v3;
	v20 =	vmul.f32 s5, v39  }
0x13b: {  	[tilespmem:s29+$0x20] =	vst v0;
	v21 =	vmul.f32 v21, v4;
	v23 =	vsub.f32 v26, v49;
	v19 =	vadd.f32 v19, v11;
	s12 =	smul.f32 s12, s9;
	s2 =	ssub.f32 $1.500000000e+00, s2  }
0x13c: {  	v22 =	vadd.f32 v22, v9;
	[tilespmem:s29+$0xFFFFFFF0] =	vst v1;
	v16 =	vadd.f32 v16, v14;
	v20 =	vmul.f32 v20, v57  }
0x13d: {  	v18 =	vadd.f32 v18, v10;
	v21 =	vadd.f32 v21, v13;
	[tilespmem:s29+$0xFFFFFFB0] =	vst v19;
	v28 =	vmul.f32 s12, v51;
	s2 =	smul.f32 s2, s13  }
0x13e: {  	v19 =	vsub.f32 v38, v49;
	[tilespmem:s29+$0x60] =	vst v16;
	v16 =	vmul.f32 v48, v5;
	v20 =	vadd.f32 v20, v8  }
0x13f: {  	[tilespmem:s29+$0xFFFFFF90] =	vst v22;
	v22 =	vmul.f32 s12, v23;
	v23 =	vsub.f32 v37, v49;
	v28 =	vmul.f32 v28, v7;
	s3 =	smul.f32 s2, s3  }
0x140: {  	[tilespmem:s29+$0xFFFFFFA0] =	vst v18;
	v18 =	vmul.f32 s12, v24;
	v61 =	vmul.f32 s12, v19;
	v16 =	vadd.f32 v16, v12  }
0x141: {  	[tilespmem:s29+$0xFFFFFFD0] =	vst v21;
	v22 =	vmul.f32 v22, v57;
	v26 =	vadd.f32 v28, v15;
	v28 =	vsub.f32 v31, v49;
	s3 =	smul.f32 s3, s2  }
0x142: {  	v24 =	vmul.f32 s12, v27;
	[tilespmem:s29+$0xFFFFFF80] =	vst v20;
	v20 =	vsub.f32 v35, v49;
	v18 =	vmul.f32 v18, v56  }
0x143: {  	v1 =	vmul.f32 v61, v3;
	[tilespmem:s29+$0xFFFFFFC0] =	vst v16;
	v22 =	vadd.f32 v22, v8;
	v16 =	vmul.f32 s12, v28;
	s3 =	ssub.f32 $1.500000000e+00, s3  }
0x144: {  	v21 =	vmul.f32 v24, v53;
	v20 =	vmul.f32 s12, v20;
	v18 =	vadd.f32 v18, v9;
	[tilespmem:s4+$0x70] =	vst v26  }
0x145: {  	v23 =	vmul.f32 s12, v23;
	v1 =	vadd.f32 v1, v14;
	[tilespmem:s4+$0x0] =	vst v22;
	v16 =	vmul.f32 v16, v6;
	s2 =	smul.f32 s3, s2  }
0x146: {  	v30 =	vsub.f32 v33, v54;
	v19 =	vmul.f32 v20, v5;
	v20 =	vadd.f32 v21, v10;
	[tilespmem:s4+$0x10] =	vst v18  }
0x147: {  	v21 =	vmul.f32 v23, v4;
	[tilespmem:s4+$0x60] =	vst v1;
	v16 =	vadd.f32 v16, v11;
	v2 =	vmul.f32 s2, v55  }
0x148: {  	v26 =	vmul.f32 v50, v3;
	v18 =	vadd.f32 v19, v12;
	[tilespmem:s4+$0x20] =	vst v20;
	v19 =	vmul.f32 s2, v25  }
0x149: {  	[tilespmem:s4+$0x30] =	vst v16;
	v16 =	vadd.f32 v21, v13;
	v0 =	vmul.f32 s2, v58;
	v2 =	vmul.f32 v2, v57  }
0x14a: {  	v26 =	vadd.f32 v26, v14;
	[tilespmem:s4+$0x40] =	vst v18;
	v18 =	vmul.f32 s2, v29;
	v19 =	vmul.f32 v19, v56  }
0x14b: {  	[tilespmem:s4+$0x50] =	vst v16;
	v16 =	vmul.f32 s2, v17;
	v0 =	vmul.f32 v0, v53;
	v2 =	vadd.f32 v2, v8  }
0x14c: {  	[tilespmem:s29+$0xFFFFFFE0] =	vst v26;
	v62 =	vmul.f32 s2, v30;
	v17 =	vmul.f32 v18, v6;
	v18 =	vadd.f32 v19, v9  }
0x14d: {  	v16 =	vmul.f32 v16, v5;
	v19 =	vmul.f32 s2, v59;
	v0 =	vadd.f32 v0, v10;
	[tilespmem:s4+$0xFFFFFF80] =	vst v2  }
0x14e: {  	v63 =	vmul.f32 s2, v60;
	v1 =	vmul.f32 v62, v4;
	v17 =	vadd.f32 v17, v11;
	[tilespmem:s4+$0xFFFFFF90] =	vst v18  }
0x14f: {  	v5 =	vadd.f32 v16, v12;
	v18 =	vmul.f32 v19, v3;
	[tilespmem:s4+$0xFFFFFFA0] =	vst v0  }
0x150: {  	v1 =	vadd.f32 v1, v13;
	v2 =	vmul.f32 v63, v7;
	[tilespmem:s4+$0xFFFFFFB0] =	vst v17  }
0x151: {  	[tilespmem:s4+$0xFFFFFFC0] =	vst v5;
	v16 =	vadd.f32 v18, v14  }
0x152: {  	s3 =	sadd.s32 s7, s31;
	[tilespmem:s4+$0xFFFFFFD0] =	vst v1;
	v32 =	vadd.f32 v2, v15  }
0x153: {  	s0 =	sshll.u32 s3, $0x4;
	[tilespmem:s4+$0xFFFFFFE0] =	vst v16  }
0x154: {  	p0 =	seq.s32 s25, $0x18;
	s0 =	sadd.s32 s6, s0;
	[tilespmem:s4+$0xFFFFFFF0] =	vst v32  }
0x155: {  	[hbm4b:s0+s8] =	stream.linear.scatter [tilespmem:s15], [sflag:$0x3], $0x4000, $0x38;
	[tilespmem:$0xFE00] =	vst v63  }
0x156: {  	s0 =	sshll.u32 @!p0 s25, $0x8;
	_ =	swait.ge [sflag:s19], $0x4000  }
0x157: {  	s3 =	simm.s32 @!p0 $0x7D00;
	s0 =	sand.u32 @!p0 $0x3FFFFF00, s0;
	[sflag:s19] =	ssyncset.done $0x0  }
0x158: {  	s2 =	simm.s32 @!p0 $0x80;
	s0 =	sadd.s32 @!p0 $0x100, s0;
	[sflag:s19] =	ssyncadd.s32 $0xFFFFC000  }
0x159: {  	[tilespmem:s3], [sflag:$0x1] =	stream.indirect.gather @!p0 [hbm4b:s1+s2], $0x80, s0, s2, $0xb8;
	[tilespmem:$0xFE00] =	vst v63  }
0x15a: {  	_ =	swait.ge [sflag:s20], $0x4000  }
0x15b: {  	s5 =	rddreg [dreg:$0x8];
	[sflag:s20] =	ssyncset.done $0x0  }
0x15c: {  	s28 =	simm.s32 $0xBD80;
	s0 =	sadd.s32 $0xFFFFFFFE, s5;
	[sflag:s20] =	ssyncadd.s32 $0xFFFFC000  }
0x15d: {  	s9 =	sadd.s32 $0x83, s0;
	v33 =	vld [tilespmem:s28+$0x0]  }
0x15e: {  	v34 =	vld [tilespmem:s28+$0x10];
	s3 =	sshll.u32 s9, $0x9  }
0x15f: {  	v17 =	vld [tilespmem:s28+$0x20];
	p0 =	slt.u32 s9, $0xC8;
	s2 =	sadd.s32 $0xFFFE7000, s3  }
0x160: {  	v19 =	vld [tilespmem:s28+$0x30];
	s2 =	smov.u32 @p0 s3  }
0x161: {  	v21 =	vld [tilespmem:s28+$0x40];
	s2 =	sshra.s32 s2, $0x2  }
0x162: {  	v35 =	vld [tilespmem:s2+$0x1900]  }
0x163: {  	v16 =	vld [tilespmem:s2+$0x1910]  }
0x164: {  	v37 =	vld [tilespmem:s28+$0x50]  }
0x165: {  	v18 =	vld [tilespmem:s2+$0x1920]  }
0x166: {  	v20 =	vld [tilespmem:s2+$0x1930]  }
0x167: {  	v22 =	vld [tilespmem:s28+$0x60]  }
0x168: {  	s0 =	sadd.s32 $0x82, s0;
	v42 =	vld [tilespmem:s28+$0xFFFFFFA0];
	v29 =	vadd.f32 v35, v33;
	v24 =	vadd.f32 v16, v34  }
0x169: {  	s3 =	sshll.u32 s0, $0x9;
	v36 =	vld [tilespmem:s2+$0x1940]  }
0x16a: {  	p0 =	slt.u32 s0, $0xC8;
	s0 =	sadd.s32 $0xFFFE7000, s3;
	v38 =	vld [tilespmem:s2+$0x1950];
	v26 =	vadd.f32 v18, v17;
	v16 =	vmul.f32 v29, v29;
	v17 =	vmul.f32 v24, v24  }
0x16b: {  	s0 =	smov.u32 @p0 s3;
	v27 =	vadd.f32 v20, v19;
	v19 =	vld [tilespmem:s2+$0x1960];
	v18 =	vadd.f32 v24, v29  }
0x16c: {  	v39 =	vld [tilespmem:s2+$0x1970];
	s0 =	sshra.s32 s0, $0x2;
	v16 =	vadd.f32 v17, v16;
	v17 =	vmul.f32 v26, v26  }
0x16d: {  	v40 =	vld [tilespmem:s0+$0x1910];
	v18 =	vadd.f32 v26, v18  }
0x16e: {  	v20 =	vld [tilespmem:s28+$0x70];
	v28 =	vadd.f32 v36, v21;
	v16 =	vadd.f32 v17, v16;
	v17 =	vmul.f32 v27, v27  }
0x16f: {  	v21 =	vld [tilespmem:s0+$0x1900];
	v30 =	vadd.f32 v38, v37;
	v18 =	vadd.f32 v27, v18  }
0x170: {  	v25 =	vadd.f32 v19, v22;
	v19 =	vld [tilespmem:s28+$0xFFFFFF90];
	v41 =	vadd.f32 v17, v16;
	v16 =	vmul.f32 v28, v28  }
0x171: {  	v17 =	vadd.f32 v28, v18;
	v18 =	vld [tilespmem:s28+$0xFFFFFF80]  }
0x172: {  	v22 =	vld [tilespmem:s0+$0x1920];
	v2 =	vadd.f32 v16, v41;
	v16 =	vmul.f32 v30, v30  }
0x173: {  	v17 =	vadd.f32 v30, v17  }
0x174: {  	v23 =	vld [tilespmem:s28+$0xFFFFFFB0];
	v31 =	vadd.f32 v39, v20;
	v2 =	vadd.f32 v16, v2;
	v16 =	vmul.f32 v25, v25  }
0x175: {  	v20 =	vld [tilespmem:s0+$0x1930];
	v33 =	vadd.f32 v40, v19;
	v17 =	vadd.f32 v25, v17  }
0x176: {  	v43 =	vld [tilespmem:s28+$0xFFFFFFC0];
	v32 =	vadd.f32 v21, v18;
	v2 =	vadd.f32 v16, v2;
	v16 =	vmul.f32 v31, v31  }
0x177: {  	v34 =	vadd.f32 v22, v42;
	v18 =	vld [tilespmem:s0+$0x1940];
	v17 =	vadd.f32 v31, v17  }
0x178: {  	v44 =	vadd.f32 v33, v32;
	v2 =	vadd.f32 v16, v2;
	v16 =	vld [tilespmem:s0+$0x1950]  }
0x179: {  	(xrf2) =	vadd.scan.msk.f32 $0xffff, v17;
	v17 =	vld [tilespmem:s28+$0xFFFFFFD0]  }
0x17a: {  	v35 =	vadd.f32 v20, v23;
	v20 =	vld [tilespmem:s28+$0xFFFFFFE0];
	v0 =	vadd.f32 v34, v44;
	(xrf2) =	vadd.scan.msk.f32 $0xffff, v2  }
0x17b: {  	v19 =	vmul.f32 v33, v33;
	v21 =	vld [tilespmem:s0+$0x1960];
	v45 =	vmul.f32 v32, v32  }
0x17c: {  	v46 =	vld [tilespmem:s28+$0xFFFFFFF0];
	v36 =	vadd.f32 v18, v43;
	v0 =	vadd.f32 v35, v0  }
0x17d: {  	v22 =	vld [tilespmem:s0+$0x1970];
	v2 =	vadd.f32 v19, v45;
	v19 =	vmul.f32 v34, v34  }
0x17e: {  	v37 =	vadd.f32 v16, v17;
	v0 =	vadd.f32 v36, v0  }
0x17f: {  	v18 =	vmul.f32 v35, v35;
	v2 =	vadd.f32 v19, v2  }
0x180: {  	v38 =	vadd.f32 v21, v20;
	v16 =	vmul.f32 v36, v36;
	v0 =	vadd.f32 v37, v0  }
0x181: {  	s10 =	rddreg [dreg:$0x8];
	v2 =	vadd.f32 v18, v2  }
0x182: {  	s29 =	simm.s32 $0xBE80;
	v41 =	vadd.f32 v22, v46;
	s0 =	sadd.s32 $0x0, s10;
	v0 =	vadd.f32 v38, v0  }
0x183: {  	v48 =	vld [tilespmem:s29+$0x0];
	s12 =	sadd.s32 $0x83, s0;
	v47 =	vmul.f32 v37, v37;
	v2 =	vadd.f32 v16, v2;
	v17, _, _ =	vpop (xrf2)  }
0x184: {  	v49 =	vld [tilespmem:s29+$0x10];
	s3 =	sshll.u32 s12, $0x9;
	(v2sf) =	vpush v17, $0xF;
	v0 =	vadd.f32 v41, v0;
	v16, _, _ =	vpop (xrf2)  }
0x185: {  	v52 =	vld [tilespmem:s29+$0x50];
	p0 =	slt.u32 s12, $0xC8;
	s2 =	sadd.s32 $0xFFFE7000, s3;
	v1 =	vadd.f32 v47, v2;
	(v2sf) =	vpush v16, $0xF;
	v16 =	vmul.f32 v38, v38  }
0x186: {  	v55 =	vld [tilespmem:s29+$0x60];
	s2 =	smov.u32 @p0 s3;
	(xrf2) =	vadd.scan.msk.f32 $0xffff, v0  }
0x187: {  	v58 =	vld [tilespmem:s29+$0x70];
	s3 =	sshra.s32 s2, $0x2;
	v17 =	vmul.f32 v41, v41;
	v1 =	vadd.f32 v16, v1  }
0x188: {  	v16 =	vld [tilespmem:s3+$0x1900]  }
0x189: {  	v1 =	vadd.f32 v17, v1;
	v17 =	vld [tilespmem:s3+$0x1910]  }
0x18a: {  	v18 =	vld [tilespmem:s29+$0x20]  }
0x18b: {  	v50 =	vld [tilespmem:s3+$0x1920];
	(xrf2) =	vadd.scan.msk.f32 $0xffff, v1  }
0x18c: {  	v21 =	vld [tilespmem:s29+$0x40]  }
0x18d: {  	v19 =	vld [tilespmem:s29+$0x30]  }
0x18e: {  	s0 =	sadd.s32 $0x82, s0;
	v20 =	vld [tilespmem:s3+$0x1930];
	v16 =	vadd.f32 v16, v48;
	v17 =	vadd.f32 v17, v49  }
0x18f: {  	s2 =	sshll.u32 s0, $0x9;
	v51 =	vld [tilespmem:s3+$0x1940]  }
0x190: {  	p0 =	slt.u32 s0, $0xC8;
	v53 =	vld [tilespmem:s3+$0x1950];
	s4 =	sadd.s32 $0xFFFE7000, s2;
	v18 =	vadd.f32 v50, v18;
	v23 =	vmul.f32 v16, v16;
	v22, _, _ =	vpop (xrf2);
	v54 =	vmul.f32 v17, v17  }
0x191: {  	v56 =	vld [tilespmem:s3+$0x1960];
	s4 =	smov.u32 @p0 s2;
	(v2sf) =	vpush v22, $0xF;
	v22 =	vadd.f32 v17, v16  }
0x192: {  	v60 =	vld [tilespmem:s3+$0x1970];
	s2 =	sshra.s32 s4, $0x2;
	v57 =	vmul.f32 v18, v18;
	v23 =	vadd.f32 v54, v23  }
0x193: {  	v62 =	vld [tilespmem:s2+$0x1900];
	v19 =	vadd.f32 v20, v19;
	v22 =	vadd.f32 v18, v22  }
0x194: {  	v63 =	vld [tilespmem:s2+$0x1910];
	v20 =	vadd.f32 v51, v21;
	s13 =	spop (v2sf);
	v21 =	vadd.f32 v57, v23  }
0x195: {  	s0 =	smul.f32 $7.812500000e-03, s13;
	s14 =	spop (v2sf);
	v23 =	vmul.f32 v19, v19;
	v61 =	vadd.f32 v19, v22;
	v22 =	vadd.f32 v53, v52;
	v52 =	vld [tilespmem:s29+$0xFFFFFF80];
	v59, _, _ =	vpop (xrf2)  }
0x196: {  	v53 =	vld [tilespmem:s29+$0xFFFFFF90];
	s5 =	smul.f32 $7.812500000e-03, s14;
	(v2sf) =	vpush v59, $0xF  }
0x197: {  	s31 =	smul.f32 s0, s0;
	v51 =	vadd.f32 v23, v21;
	v23 =	vmul.f32 v20, v20;
	_ =	sdelay $0x1  }
0x198: {  	v43 =	vld [tilespmem:s2+$0x1930];
	v39 =	vadd.f32 v20, v61;
	s5 =	ssub.f32 s5, s31;
	v2 =	vadd.f32 v23, v51  }
0x199: {  	v47 =	vld [tilespmem:s29+$0xFFFFFFB0];
	v23 =	vadd.f32 v60, v58;
	v60 =	vadd.f32 v62, v52  }
0x19a: {  	v21 =	vadd.f32 v56, v55;
	v55 =	vld [tilespmem:s2+$0x1920];
	s3 =	sadd.f32 $9.999999740e-06, s5;
	v62 =	vadd.f32 v63, v53  }
0x19b: {  	v54 =	vmul.f32 v22, v22;
	v56 =	vld [tilespmem:s29+$0xFFFFFFA0];
	[tilespmem:$0x1FED0] =	vst v60  }
0x19c: {  	v39 =	vadd.f32 v22, v39;
	s9 =	sshra.s32 s3, $0x1;
	s3 =	smul.f32 $5.000000000e-01, s3;
	v61 =	vld [tilespmem:s2+$0x1940];
	[tilespmem:$0x1FEE0] =	vst v62  }
0x19d: {  	v57 =	vmul.f32 v21, v21;
	v2 =	vadd.f32 v54, v2;
	s4 =	ssub.s32 $0x5F3759DF, s9;
	v63 =	vld [tilespmem:s29+$0xFFFFFFC0]  }
0x19e: {  	v39 =	vadd.f32 v21, v39;
	s10 =	smul.f32 s4, s3  }
0x19f: {  	v58 =	vmul.f32 v23, v23;
	v2 =	vadd.f32 v57, v2  }
0x1a0: {  	v52 =	vadd.f32 v55, v56;
	v59 =	vadd.f32 v23, v39;
	v39 =	vld [tilespmem:s2+$0x1950];
	s5 =	smul.f32 s4, s10;
	s12 =	spop (v2sf)  }
0x1a1: {  	v55 =	vmul.f32 v60, v60;
	v56 =	vmul.f32 v62, v62;
	v54 =	vld [tilespmem:s29+$0xFFFFFFD0];
	v2 =	vadd.f32 v58, v2;
	s9 =	smul.f32 $7.812500000e-03, s12  }
0x1a2: {  	v57 =	vld [tilespmem:s2+$0x1960];
	[tilespmem:$0x1FEF0] =	vst v52;
	(xrf2) =	vadd.scan.msk.f32 $0xffff, v59;
	s5 =	ssub.f32 $1.500000000e+00, s5;
	v61 =	vadd.f32 v61, v63  }
0x1a3: {  	v42 =	vadd.f32 v43, v47;
	s13 =	rddreg [dreg:$0x8];
	v58 =	vld [tilespmem:s29+$0xFFFFFFE0];
	v59 =	vmul.f32 v52, v52;
	(xrf2) =	vadd.scan.msk.f32 $0xffff, v2;
	v2 =	vadd.f32 v56, v55;
	s12 =	smul.f32 s9, s9  }
0x1a4: {  	v53 =	vadd.f32 v62, v60;
	v60 =	vld [tilespmem:s2+$0x1970];
	s10 =	smul.f32 s4, s5;
	[tilespmem:$0x1FF00] =	vst v61;
	s14 =	spop (v2sf)  }
0x1a5: {  	v2 =	vadd.f32 v59, v2;
	v63 =	vmul.f32 v42, v42;
	s5 =	sadd.s32 $0x2, s13;
	v62 =	vld [tilespmem:s29+$0xFFFFFFF0];
	s2 =	smul.f32 $7.812500000e-03, s14  }
0x1a6: {  	s4 =	sadd.s32 $0x83, s5  }
0x1a7: {  	v0 =	vadd.f32 v52, v53;
	v4 =	vmul.f32 v61, v61;
	v2 =	vadd.f32 v63, v2;
	s2 =	ssub.f32 s2, s12;
	s12 =	sshll.u32 s4, $0x9  }
0x1a8: {  	s30 =	simm.s32 $0xBF80;
	v54 =	vadd.f32 v39, v54;
	p0 =	slt.u32 s4, $0xC8;
	s4 =	sadd.s32 $0xFFFE7000, s12  }
0x1a9: {  	v0 =	vadd.f32 v42, v0;
	v43 =	vmov s9;
	v1 =	vld [tilespmem:s30+$0x0];
	v2 =	vadd.f32 v4, v2;
	s4 =	smov.u32 @p0 s12  }
0x1aa: {  	v39 =	vmul.f32 v54, v54;
	v55 =	vld [tilespmem:s30+$0x10];
	v52 =	vadd.f32 v60, v62;
	v60 =	vsub.f32 v33, v43;
	s4 =	sshra.s32 s4, $0x2  }
0x1ab: {  	v46 =	vadd.f32 v57, v58;
	v50 =	vsub.f32 v34, v43;
	s31 =	smul.f32 s10, s3;
	v45 =	vld [tilespmem:s4+$0x1900]  }
0x1ac: {  	v5, _, _ =	vpop (xrf2);
	v2 =	vadd.f32 v39, v2;
	v39 =	vsub.f32 v36, v43;
	v57 =	vld [tilespmem:s4+$0x1910];
	[tilespmem:$0x1FE90] =	vst v60  }
0x1ad: {  	v0 =	vadd.f32 v61, v0;
	s13 =	smul.f32 s31, s10;
	(v2sf) =	vpush v5, $0xF;
	v40, _, _ =	vpop (xrf2);
	v61 =	vld [tilespmem:s30+$0x20]  }
0x1ae: {  	(v2sf) =	vpush v40, $0xF;
	v40 =	vsub.f32 v38, v43;
	v63 =	vld [tilespmem:s4+$0x1920];
	[tilespmem:$0x1FEA0] =	vst v39  }
0x1af: {  	v41 =	vsub.f32 v41, v43;
	v0 =	vadd.f32 v54, v0;
	s13 =	ssub.f32 $1.500000000e+00, s13;
	v34 =	vld [tilespmem:s30+$0x30]  }
0x1b0: {  	v47 =	vmul.f32 v46, v46;
	s2 =	sadd.f32 $9.999999740e-06, s2;
	v33 =	vld [tilespmem:s4+$0x1930];
	[tilespmem:$0x1FEB0] =	vst v40  }
0x1b1: {  	v51 =	vsub.f32 v37, v43;
	v0 =	vadd.f32 v46, v0;
	s9 =	smul.f32 s13, s10;
	[tilespmem:$0x1FEC0] =	vst v41  }
0x1b2: {  	v2 =	vadd.f32 v47, v2;
	v47 =	vsub.f32 v35, v43;
	s14 =	sshra.s32 s2, $0x1;
	s2 =	smul.f32 $5.000000000e-01, s2;
	v35 =	vld [tilespmem:s30+$0x40]  }
0x1b3: {  	v37 =	vmov s0;
	v0 =	vadd.f32 v52, v0;
	v62 =	vmul.f32 v52, v52;
	s10 =	ssub.s32 $0x5F3759DF, s14;
	s3 =	smul.f32 s9, s3;
	v58 =	vld [tilespmem:s30+$0x50]  }
0x1b4: {  	v53 =	vsub.f32 v32, v43;
	v31 =	vsub.f32 v31, v37;
	s31 =	smul.f32 s10, s2;
	v5 =	vld [tilespmem:s4+$0x1960]  }
0x1b5: {  	v29 =	vsub.f32 v29, v37;
	(xrf2) =	vadd.scan.msk.f32 $0xffff, v0;
	v2 =	vadd.f32 v62, v2;
	s3 =	smul.f32 s3, s9;
	v60 =	vld [tilespmem:s30+$0x70]  }
0x1b6: {  	v38 =	vsub.f32 v24, v37;
	v43 =	vsub.f32 v26, v37;
	v41 =	vld [tilespmem:s4+$0x1970]  }
0x1b7: {  	s14 =	sadd.s32 $0x82, s5;
	s12 =	smul.f32 s10, s31;
	(xrf2) =	vadd.scan.msk.f32 $0xffff, v2;
	v2 =	vld [tilespmem:s4+$0x1940];
	s3 =	ssub.f32 $1.500000000e+00, s3;
	v26 =	vadd.f32 v45, v1;
	v24 =	vadd.f32 v57, v55  }
0x1b8: {  	v48 =	vsub.f32 v27, v37;
	v28 =	vsub.f32 v28, v37;
	s0 =	sshll.u32 s14, $0x9;
	p0 =	slt.u32 s14, $0xC8;
	v1 =	vld [tilespmem:s4+$0x1950]  }
0x1b9: {  	v55 =	vld [tilespmem:s30+$0x60];
	s13 =	ssub.f32 $1.500000000e+00, s12;
	v27 =	vadd.f32 v63, v61;
	s12 =	smul.f32 s3, s9;
	s3 =	sadd.s32 $0xFFFE7000, s0;
	v49 =	vmul.f32 v26, v26;
	v4 =	vmul.f32 v24, v24  }
0x1ba: {  	v30 =	vsub.f32 v30, v37;
	v25 =	vsub.f32 v25, v37;
	v63 =	vld [tilespmem:s30+$0xFFFFFF80];
	s3 =	smov.u32 @p0 s0  }
0x1bb: {  	v40 =	vmul.f32 v27, v27;
	v31 =	vmul.f32 s12, v31;
	s0 =	sshra.s32 s3, $0x2;
	v0 =	vadd.f32 v4, v49;
	v49 =	vld [tilespmem:s30+$0xFFFFFF90]  }
0x1bc: {  	v39 =	vmul.f32 s12, v29;
	v56 =	vmul.f32 s12, v43;
	v35 =	vadd.f32 v2, v35;
	v32 =	vld [tilespmem:s0+$0x1910]  }
0x1bd: {  	s5 =	smul.f32 s10, s13;
	v62 =	vmul.f32 s12, v48;
	v57 =	vmul.f32 s12, v30;
	v2 =	vld [tilespmem:s30+$0xFFFFFFC0];
	v37 =	vadd.f32 v1, v58  }
0x1be: {  	v58 =	vmul.f32 s12, v28;
	v29 =	vld [tilespmem:s0+$0x1920];
	v36 =	vmul.f32 v31, v7;
	v31 =	vadd.f32 v33, v34  }
0x1bf: {  	s31 =	smul.f32 s5, s2;
	v28 =	vadd.f32 v24, v26;
	v30 =	vld [tilespmem:s0+$0x1930];
	v34 =	vmul.f32 s12, v38;
	v0 =	vadd.f32 v40, v0;
	v61, _, _ =	vpop (xrf2)  }
0x1c0: {  	(v2sf) =	vpush v61, $0xF;
	v61 =	vld [tilespmem:s0+$0x1900];
	v43 =	vmul.f32 v31, v31;
	v48 =	vadd.f32 v36, v15  }
0x1c1: {  	s10 =	smul.f32 s31, s5;
	v36 =	vmul.f32 s12, v25;
	v25 =	vadd.f32 v27, v28;
	v28 =	vadd.f32 v32, v49;
	v49 =	vld [tilespmem:$0x1FF90]  }
0x1c2: {  	v45 =	vmul.f32 v35, v35;
	v38 =	vadd.f32 v5, v55;
	v55 =	vld [tilespmem:s30+$0xFFFFFFA0];
	v0 =	vadd.f32 v43, v0  }
0x1c3: {  	v33 =	vld [tilespmem:s30+$0xFFFFFFB0];
	s13 =	spop (v2sf);
	s4 =	ssub.f32 $1.500000000e+00, s10;
	v40 =	vadd.f32 v31, v25  }
0x1c4: {  	s3 =	smul.f32 $7.812500000e-03, s13;
	v0 =	vadd.f32 v45, v0;
	v45 =	vadd.f32 v41, v60;
	v41 =	vld [tilespmem:$0x1FF80]  }
0x1c5: {  	v4 =	vmul.f32 v37, v37;
	s14 =	spop (v2sf);
	v44, _, _ =	vpop (xrf2);
	s5 =	smul.f32 s4, s5;
	v25 =	vadd.f32 v61, v63;
	v61 =	vld [tilespmem:s0+$0x1940]  }
0x1c6: {  	s9 =	smul.f32 $7.812500000e-03, s14;
	(v2sf) =	vpush v44, $0xF;
	v44 =	vmul.f32 v34, v49;
	v34 =	vadd.f32 v35, v40  }
0x1c7: {  	v6 =	vmov v3;
	v3 =	vld [tilespmem:$0x1FFD0];
	v5 =	vmul.f32 v38, v38;
	s2 =	smul.f32 s5, s2;
	v0 =	vadd.f32 v4, v0  }
0x1c8: {  	s31 =	smul.f32 s3, s3;
	v32 =	vadd.f32 v29, v55;
	v60 =	vld [tilespmem:s0+$0x1960];
	v34 =	vadd.f32 v37, v34  }
0x1c9: {  	v29 =	vadd.f32 v30, v33;
	v43 =	vmul.f32 v45, v45;
	s2 =	smul.f32 s2, s5;
	v0 =	vadd.f32 v5, v0;
	v5 =	vld [tilespmem:$0x1FFB0]  }
0x1ca: {  	s9 =	ssub.f32 s9, s31;
	v39 =	vmul.f32 v39, v41;
	v30 =	vadd.f32 v61, v2;
	v2 =	vld [tilespmem:s30+$0xFFFFFFE0];
	v34 =	vadd.f32 v38, v34  }
0x1cb: {  	s2 =	ssub.f32 $1.500000000e+00, s2;
	v40 =	vadd.f32 v43, v0;
	v0 =	vmul.f32 v28, v28  }
0x1cc: {  	v1 =	vld [tilespmem:s0+$0x1950];
	v63 =	vadd.f32 v39, v8;
	v39 =	vmul.f32 v25, v25;
	v59 =	vadd.f32 v45, v34  }
0x1cd: {  	v57 =	vmul.f32 v57, v3;
	v55 =	vld [tilespmem:s30+$0xFFFFFFD0];
	s13 =	sadd.f32 $9.999999740e-06, s9;
	s2 =	smul.f32 s2, s5  }
0x1ce: {  	v33 =	vmul.f32 v32, v32;
	v62 =	vmul.f32 v62, v5;
	v39 =	vadd.f32 v0, v39;
	(xrf2) =	vadd.scan.msk.f32 $0xffff, v59;
	v59 =	vld [tilespmem:$0x1FE90]  }
0x1cf: {  	s9 =	sshra.s32 s13, $0x1;
	s4 =	smul.f32 $5.000000000e-01, s13;
	v34 =	vadd.f32 v60, v2;
	v60 =	vadd.f32 v57, v13;
	v57 =	vmul.f32 s2, v47;
	v47 =	vld [tilespmem:$0x1FEA0]  }
0x1d0: {  	s9 =	ssub.s32 $0x5F3759DF, s9;
	v61 =	vadd.f32 v62, v11;
	v39 =	vadd.f32 v33, v39;
	v62 =	vmul.f32 v29, v29  }
0x1d1: {  	v7 =	vld [tilespmem:$0x1FFA0];
	s14 =	smul.f32 s9, s4  }
0x1d2: {  	v33 =	vadd.f32 v1, v55;
	v1 =	vld [tilespmem:s0+$0x1970];
	v2 =	vmul.f32 v30, v30;
	v39 =	vadd.f32 v62, v39  }
0x1d3: {  	s10 =	smul.f32 s9, s14;
	v62 =	vld [tilespmem:s30+$0xFFFFFFF0];
	v55 =	vmul.f32 s2, v59  }
0x1d4: {  	v59 =	vadd.f32 v2, v39;
	v2 =	vmul.f32 s2, v47;
	v47 =	vmul.f32 s2, v51;
	v51 =	vld [tilespmem:$0x1FEB0]  }
0x1d5: {  	s31 =	ssub.f32 $1.500000000e+00, s10;
	s12 =	spop (v2sf)  }
0x1d6: {  	v56 =	vmul.f32 v56, v7;
	s10 =	smul.f32 $7.812500000e-03, s12  }
0x1d7: {  	v36 =	vmul.f32 v36, v6;
	v4 =	vld [tilespmem:$0x1FFC0];
	s5 =	smul.f32 s9, s31  }
0x1d8: {  	v43 =	vadd.f32 v56, v10;
	v0 =	vmul.f32 s2, v53;
	v53 =	vadd.f32 v28, v25;
	s13 =	smul.f32 s10, s10  }
0x1d9: {  	v56 =	vadd.f32 v36, v14;
	s14 =	spop (v2sf);
	s31 =	smul.f32 s5, s4;
	v36 =	vadd.f32 v1, v62;
	v62 =	vmul.f32 s2, v51;
	v51 =	vld [tilespmem:$0x1FED0]  }
0x1da: {  	(xrf2) =	vadd.scan.msk.f32 $0xffff, v40;
	v40 =	vadd.f32 v32, v53;
	v53 =	vld [tilespmem:$0x1FEC0];
	s9 =	smul.f32 $7.812500000e-03, s14  }
0x1db: {  	s12 =	smul.f32 s31, s5  }
0x1dc: {  	v44 =	vadd.f32 v44, v9;
	v58 =	vmul.f32 v58, v4;
	s0 =	ssub.f32 s9, s13;
	[tilespmem:s28+$0x70] =	vst v48  }
0x1dd: {  	v1 =	vmov s10;
	s12 =	ssub.f32 $1.500000000e+00, s12;
	v48 =	vmul.f32 v0, v41;
	v0 =	vadd.f32 v29, v40;
	v41 =	vld [tilespmem:$0x1FEE0];
	[tilespmem:s28+$0x0] =	vst v63  }
0x1de: {  	v58 =	vadd.f32 v58, v12;
	s0 =	sadd.f32 $9.999999740e-06, s0;
	v39 =	vsub.f32 v51, v1;
	v51 =	vld [tilespmem:$0x1FEF0];
	[tilespmem:s28+$0x10] =	vst v44  }
0x1df: {  	v50 =	vmul.f32 s2, v50;
	v53 =	vmul.f32 s2, v53;
	s5 =	smul.f32 s12, s5;
	v0 =	vadd.f32 v30, v0;
	[tilespmem:s28+$0x20] =	vst v43  }
0x1e0: {  	v49 =	vmul.f32 v55, v49;
	v42 =	vsub.f32 v42, v1;
	v46 =	vsub.f32 v46, v1;
	s13 =	sshra.s32 s0, $0x1;
	s2 =	smul.f32 $5.000000000e-01, s0;
	v63 =	vld [tilespmem:$0x1FF00]  }
0x1e1: {  	v55 =	vmul.f32 v47, v3;
	v47 =	vsub.f32 v52, v1;
	s13 =	ssub.s32 $0x5F3759DF, s13;
	s14 =	smul.f32 s5, s4;
	v0 =	vadd.f32 v33, v0  }
0x1e2: {  	s31 =	smul.f32 s13, s2;
	v52 =	vmul.f32 v62, v6;
	v43 =	vsub.f32 v54, v1;
	v54 =	vmul.f32 v2, v4  }
0x1e3: {  	s0 =	smul.f32 s14, s5;
	v4 =	vmul.f32 v33, v33;
	v41 =	vsub.f32 v41, v1;
	[tilespmem:s28+$0x40] =	vst v58;
	v58 =	vadd.f32 v34, v0  }
0x1e4: {  	s4 =	smul.f32 s13, s31;
	[tilespmem:s28+$0x30] =	vst v61;
	v40 =	vsub.f32 v51, v1;
	v51 =	vmul.f32 v50, v7;
	v50 =	vmul.f32 v57, v5;
	v5, _, _ =	vpop (xrf2)  }
0x1e5: {  	s12 =	ssub.f32 $1.500000000e+00, s0;
	[tilespmem:s28+$0x60] =	vst v56;
	v56 =	vmov s3;
	v44 =	vsub.f32 v63, v1;
	(v2sf) =	vpush v5, $0xF;
	v63, _, _ =	vpop (xrf2)  }
0x1e6: {  	s0 =	simm.s32 $0x4;
	[tilespmem:s28+$0x50] =	vst v60;
	s14 =	ssub.f32 $1.500000000e+00, s4;
	s4 =	simm.s32 $0xBF80;
	v59 =	vadd.f32 v4, v59;
	v57 =	vmul.f32 v34, v34;
	(v2sf) =	vpush v63, $0xF  }
.LBB2_5:
0x1e7: {  	v3 =	vld [tilespmem:$0x1FFF0]  }
0x1e8: {  	v2 =	vsub.f32 v23, v56;
	v63 =	vsub.f32 v16, v56;
	v61 =	vld [tilespmem:$0x1FF90]  }
0x1e9: {  	v16 =	vmovc v26;
	v26 =	vsub.f32 v18, v56;
	v18 =	vmov v27;
	v27 =	vsub.f32 v20, v56;
	v4 =	vld [tilespmem:$0x1FFB0]  }
0x1ea: {  	v60 =	vadd.f32 v49, v9;
	v5 =	vld [tilespmem:$0x1FFC0];
	v0 =	vadd.f32 v36, v58;
	s5 =	smul.f32 s12, s5  }
0x1eb: {  	v1 =	vmul.f32 v36, v36;
	v20 =	vmovc v35;
	v6 =	vld [tilespmem:$0x1FFD0];
	v62 =	vadd.f32 v57, v59;
	s3 =	smul.f32 s13, s14;
	v59 =	vsub.f32 v19, v56  }
0x1ec: {  	s9 =	rddreg [dreg:$0x8];
	s30 =	sadd.s32 $0x100, s30;
	v7 =	vld [tilespmem:$0x1FFE0];
	v58 =	vsub.f32 v17, v56;
	v19 =	vmovc v31;
	v31 =	vsub.f32 v22, v56;
	(xrf2) =	vadd.scan.msk.f32 $0xffff, v0;
	v2 =	vmul.f32 s5, v2  }
0x1ed: {  	v17 =	vmovc v24;
	s9 =	sadd.s32 s0, s9;
	v22 =	vmovc v37;
	v37 =	vld [tilespmem:s30+$0x0];
	v1 =	vadd.f32 v1, v62;
	s10 =	smul.f32 s3, s2;
	v24 =	vmul.f32 s5, v63;
	v35 =	vmul.f32 s5, v59  }
0x1ee: {  	v23 =	vmovc v45;
	v45 =	vld [tilespmem:s30+$0x10];
	s14 =	sadd.s32 $0x82, s9;
	s9 =	sadd.s32 $0x83, s9;
	v27 =	vmul.f32 s5, v27;
	v62 =	vadd.f32 v51, v10;
	v2 =	vmul.f32 v2, v3  }
0x1ef: {  	v57 =	vld [tilespmem:$0x1FF80];
	[tilespmem:s28+$0xFFFFFF90] =	vst v60;
	p1 =	slt.u32 s14, $0xC8;
	s13 =	sshll.u32 s9, $0x9;
	v31 =	vmul.f32 s5, v31;
	v63 =	vadd.f32 v50, v11;
	v59 =	vadd.f32 v52, v14;
	s10 =	smul.f32 s10, s3  }
0x1f0: {  	s12 =	sshll.u32 s14, $0x9;
	p2 =	slt.u32 s9, $0xC8;
	s9 =	sadd.s32 $0xFFFE7000, s13;
	v53 =	vmul.f32 v53, v3;
	(xrf2) =	vadd.scan.msk.f32 $0xffff, v1;
	v3 =	vld [tilespmem:$0x1FFA0];
	[tilespmem:s28+$0xFFFFFFA0] =	vst v62;
	v2 =	vadd.f32 v2, v15  }
0x1f1: {  	s14 =	sadd.s32 $0xFFFE7000, s12;
	v1 =	vmul.f32 s5, v26;
	v26 =	vsub.f32 v21, v56;
	s9 =	smov.u32 @p2 s13;
	v51 =	vmul.f32 v27, v5;
	v27 =	vld [tilespmem:s30+$0x20];
	[tilespmem:s28+$0xFFFFFFB0] =	vst v63;
	s31 =	ssub.f32 $1.500000000e+00, s10  }
0x1f2: {  	v21 =	vmov v38;
	v38 =	vadd.f32 v48, v8;
	s14 =	smov.u32 @p1 s12;
	s12 =	sshra.s32 s9, $0x2;
	v60 =	vadd.f32 v53, v15;
	v53 =	vld [tilespmem:s30+$0x30];
	[tilespmem:s29+$0x70] =	vst v2  }
0x1f3: {  	v56 =	vmul.f32 v31, v6;
	v31 =	vadd.f32 v55, v13;
	[tilespmem:s28+$0xFFFFFFE0] =	vst v59;
	v26 =	vmul.f32 s5, v26;
	s13 =	smul.f32 s31, s3;
	v48 =	vld [tilespmem:s12+$0x1900]  }
0x1f4: {  	v0 =	vmul.f32 s5, v58;
	v24 =	vmul.f32 v24, v57;
	[tilespmem:s28+$0xFFFFFF80] =	vst v38;
	v49 =	vld [tilespmem:s12+$0x1910]  }
0x1f5: {  	[tilespmem:s28+$0xFFFFFFD0] =	vst v31;
	v50 =	vmul.f32 v26, v7;
	v26 =	vadd.f32 v54, v12;
	v38 =	vld [tilespmem:s12+$0x1920];
	s10 =	smul.f32 s13, s2  }
0x1f6: {  	v0 =	vmul.f32 v0, v61;
	v62 =	vadd.f32 v24, v8;
	[tilespmem:s28+$0xFFFFFFF0] =	vst v60;
	v63 =	vld [tilespmem:s12+$0x1930];
	v58, _, _ =	vpop (xrf2)  }
0x1f7: {  	v35 =	vmul.f32 v35, v4;
	v1 =	vmul.f32 v1, v3;
	v2 =	vld [tilespmem:s12+$0x1940];
	[tilespmem:s28+$0xFFFFFFC0] =	vst v26;
	s28 =	smov.u32 s29;
	s9 =	spop (v2sf);
	s2 =	smul.f32 s10, s13;
	(v2sf) =	vpush v58, $0xF  }
0x1f8: {  	s5 =	sshra.s32 s14, $0x2;
	v0 =	vadd.f32 v0, v9;
	[tilespmem:s28+$0x0] =	vst v62;
	v62 =	vld [tilespmem:s30+$0x60];
	s3 =	smul.f32 $7.812500000e-03, s9;
	s14 =	spop (v2sf)  }
0x1f9: {  	v35 =	vadd.f32 v35, v11;
	v1 =	vadd.f32 v1, v10;
	v54 =	vld [tilespmem:s5+$0x1900];
	s9 =	smul.f32 $7.812500000e-03, s14  }
0x1fa: {  	v26 =	vadd.f32 v48, v37;
	v24 =	vadd.f32 v49, v45;
	v37 =	vld [tilespmem:s30+$0x40];
	v31, _, _ =	vpop (xrf2);
	s31 =	smul.f32 s3, s3  }
0x1fb: {  	v27 =	vadd.f32 v38, v27;
	v48 =	vld [tilespmem:s12+$0x1950];
	[tilespmem:s28+$0x10] =	vst v0;
	s2 =	ssub.f32 $1.500000000e+00, s2;
	(v2sf) =	vpush v31, $0xF  }
0x1fc: {  	v38 =	vld [tilespmem:s30+$0x50];
	[tilespmem:s28+$0x20] =	vst v1;
	v45 =	vadd.f32 v24, v26;
	v58 =	vmul.f32 v26, v26;
	v59 =	vmul.f32 v24, v24;
	s9 =	ssub.f32 s9, s31  }
0x1fd: {  	v60 =	vadd.f32 v51, v12;
	v31 =	vadd.f32 v63, v53;
	v1 =	vld [tilespmem:s12+$0x1960];
	s2 =	smul.f32 s2, s13  }
0x1fe: {  	[tilespmem:s28+$0x30] =	vst v35;
	v63 =	vmul.f32 v27, v27;
	v45 =	vadd.f32 v27, v45;
	v49 =	vadd.f32 v59, v58;
	v58 =	vld [tilespmem:s30+$0x70];
	s9 =	sadd.f32 $9.999999740e-06, s9  }
0x1ff: {  	v56 =	vadd.f32 v56, v13;
	[tilespmem:s28+$0x40] =	vst v60;
	v55 =	vmul.f32 s2, v41;
	v41 =	vld [tilespmem:s30+$0xFFFFFF80];
	v35 =	vadd.f32 v2, v37  }
0x200: {  	v59 =	vmul.f32 v31, v31;
	v0 =	vld [tilespmem:s12+$0x1970];
	v45 =	vadd.f32 v31, v45;
	v49 =	vadd.f32 v63, v49;
	s13 =	sshra.s32 s9, $0x1;
	s12 =	smul.f32 $5.000000000e-01, s9  }
0x201: {  	v50 =	vadd.f32 v50, v14;
	v52 =	vmul.f32 s2, v42;
	v42 =	vld [tilespmem:s5+$0x1920];
	v37 =	vadd.f32 v48, v38;
	s14 =	ssub.s32 $0x5F3759DF, s13  }
0x202: {  	v48 =	vld [tilespmem:s5+$0x1910];
	v60 =	vmul.f32 v35, v35;
	v45 =	vadd.f32 v35, v45;
	v49 =	vadd.f32 v59, v49;
	s10 =	smul.f32 s14, s12  }
0x203: {  	v39 =	vmul.f32 s2, v39;
	[tilespmem:s28+$0x60] =	vst v50;
	v50 =	vmul.f32 s2, v40;
	v40 =	vld [tilespmem:s30+$0xFFFFFF90];
	v38 =	vadd.f32 v1, v62  }
0x204: {  	v2 =	vld [tilespmem:s30+$0xFFFFFFA0];
	v63 =	vmul.f32 v37, v37;
	v62 =	vadd.f32 v37, v45;
	v49 =	vadd.f32 v60, v49;
	s10 =	smul.f32 s14, s10  }
0x205: {  	[tilespmem:s28+$0x50] =	vst v56;
	v56 =	vmul.f32 s2, v43;
	v1 =	vmul.f32 s2, v44;
	v45 =	vadd.f32 v0, v58  }
0x206: {  	v53 =	vadd.f32 v38, v62;
	v60 =	vadd.f32 v63, v49;
	v62 =	vmul.f32 v38, v38;
	s10 =	ssub.f32 $1.500000000e+00, s10;
	s31 =	spop (v2sf)  }
0x207: {  	v43 =	vld [tilespmem:s5+$0x1930];
	v59 =	vmul.f32 s2, v46;
	v41 =	vadd.f32 v54, v41;
	v63 =	vmul.f32 v45, v45;
	s13 =	smul.f32 $7.812500000e-03, s31  }
0x208: {  	v46 =	vld [tilespmem:s30+$0xFFFFFFB0];
	v0 =	vadd.f32 v45, v53;
	v53 =	vmul.f32 s2, v47;
	v44 =	vadd.f32 v62, v60;
	s2 =	smul.f32 s14, s10  }
0x209: {  	v54 =	vld [tilespmem:s5+$0x1940];
	v51 =	vadd.f32 v48, v40;
	v48 =	vmul.f32 v39, v57;
	v2 =	vadd.f32 v42, v2;
	s9 =	smul.f32 s13, s13  }
0x20a: {  	v57 =	vld [tilespmem:s30+$0xFFFFFFC0];
	v58 =	vmul.f32 v41, v41;
	(xrf2) =	vadd.scan.msk.f32 $0xffff, v0;
	s14 =	spop (v2sf);
	v49 =	vadd.f32 v63, v44;
	v0 =	vmov s13;
	s31 =	smul.f32 s2, s12  }
0x20b: {  	v47 =	vld [tilespmem:s5+$0x1950];
	v44 =	vmul.f32 v51, v51;
	s10 =	smul.f32 $7.812500000e-03, s14;
	v39 =	vsub.f32 v25, v0;
	v25 =	vmovc v41;
	v41 =	vsub.f32 v28, v0  }
0x20c: {  	v60 =	vld [tilespmem:s30+$0xFFFFFFD0];
	(xrf2) =	vadd.scan.msk.f32 $0xffff, v49;
	v40 =	vsub.f32 v32, v0;
	v49 =	vmul.f32 v55, v61;
	v42 =	vadd.f32 v51, v25;
	s13 =	smul.f32 s31, s2  }
0x20d: {  	v63 =	vld [tilespmem:s5+$0x1970];
	v44 =	vadd.f32 v44, v58;
	v58 =	vmul.f32 v2, v2;
	v28 =	vmovc v51;
	s9 =	ssub.f32 s10, s9;
	v51 =	vmul.f32 v50, v3  }
0x20e: {  	v50 =	vmul.f32 v52, v4;
	v52 =	vld [tilespmem:s30+$0xFFFFFFF0];
	v61 =	vadd.f32 v2, v42;
	v42 =	vsub.f32 v29, v0;
	s13 =	ssub.f32 $1.500000000e+00, s13  }
0x20f: {  	v62 =	vld [tilespmem:s30+$0xFFFFFFE0];
	v32 =	vmov v2;
	v29 =	vadd.f32 v43, v46;
	v2 =	vadd.f32 v54, v57;
	s9 =	sadd.f32 $9.999999740e-06, s9  }
0x210: {  	v55 =	vld [tilespmem:s5+$0x1960];
	v46 =	vadd.f32 v58, v44;
	v44 =	vsub.f32 v30, v0;
	s5 =	smul.f32 s13, s2  }
0x211: {  	v43 =	vsub.f32 v33, v0;
	v3 =	vadd.f32 v29, v61;
	s14 =	sshra.s32 s9, $0x1;
	s2 =	smul.f32 $5.000000000e-01, s9  }
0x212: {  	s0 =	sadd.s32 $0x2, s0;
	v33 =	vadd.f32 v47, v60;
	v47 =	vsub.f32 v36, v0;
	v4 =	vmul.f32 v29, v29;
	v30 =	vmovc v2;
	s13 =	ssub.s32 $0x5F3759DF, s14;
	s31 =	smul.f32 s5, s12  }
0x213: {  	p0 =	slt.u32 s0, $0x7E;
	v58 =	vmul.f32 v2, v2;
	v36 =	vadd.f32 v63, v52;
	v2 =	vadd.f32 v30, v3;
	s10 =	smul.f32 s13, s2  }
.Ltmp1:
0x214: {  	v54 =	vmul.f32 v1, v5;
	v57 =	vadd.f32 v4, v46;
	v46 =	vsub.f32 v34, v0;
	(pc) =	sbr.rel @p0 .LBB2_5-.Ltmp1, $4  }
0x215: {  	v1 =	vmul.f32 v33, v33;
	v34 =	vadd.f32 v55, v62;
	v2 =	vadd.f32 v33, v2;
	s9 =	smul.f32 s31, s5  }
0x216: {  	v52 =	vmul.f32 v59, v7;
	v55 =	vmul.f32 v56, v6;
	v4, _, _ =	vpop (xrf2);
	v5 =	vadd.f32 v58, v57;
	s10 =	smul.f32 s13, s10  }
0x217: {  	v56 =	vmov s3;
	(v2sf) =	vpush v4, $0xF;
	v63, _, _ =	vpop (xrf2);
	v58 =	vadd.f32 v34, v2;
	s12 =	ssub.f32 $1.500000000e+00, s9  }
0x218: {  	s29 =	smov.u32 s4;
	s4 =	smov.u32 s30;
	v57 =	vmul.f32 v34, v34;
	v59 =	vadd.f32 v1, v5;
	(v2sf) =	vpush v63, $0xF;
	s14 =	ssub.f32 $1.500000000e+00, s10  }
0x219: {  	_ = 	snop  }
0x21a: {  	v0 =	vadd.f32 v36, v58  }
0x21b: {  	v1 =	vmul.f32 v36, v36;
	v2 =	vadd.f32 v57, v59  }
0x21c: {  	(xrf2) =	vadd.scan.msk.f32 $0xffff, v0  }
0x21d: {  	v58 =	vadd.f32 v1, v2;
	_ =	sdelay $0x1  }
0x21e: {  	(xrf2) =	vadd.scan.msk.f32 $0xffff, v58;
	_ =	sdelay $0x6  }
0x21f: {  	v59, _, _ =	vpop (xrf2);
	s0 =	spop (v2sf)  }
0x220: {  	(v2sf) =	vpush v59, $0xF;
	s3 =	smul.f32 $7.812500000e-03, s0;
	s10 =	spop (v2sf)  }
0x221: {  	s0 =	smul.f32 $7.812500000e-03, s10  }
0x222: {  	v60, _, _ =	vpop (xrf2);
	s10 =	smul.f32 s13, s14  }
0x223: {  	s9 =	smul.f32 s3, s3;
	(v2sf) =	vpush v60, $0xF  }
0x224: {  	s30 =	smul.f32 s10, s2  }
0x225: {  	s0 =	ssub.f32 s0, s9  }
0x226: {  	s9 =	smul.f32 s30, s10  }
0x227: {  	s0 =	sadd.f32 $9.999999740e-06, s0  }
0x228: {  	s5 =	smul.f32 s12, s5;
	s30 =	ssub.f32 $1.500000000e+00, s9  }
0x229: {  	s31 =	sshra.s32 s0, $0x1;
	s14 =	smul.f32 $5.000000000e-01, s0  }
0x22a: {  	s9 =	ssub.s32 $0x5F3759DF, s31;
	s10 =	smul.f32 s30, s10  }
0x22b: {  	s31 =	smul.f32 s9, s14  }
0x22c: {  	s2 =	smul.f32 s10, s2  }
0x22d: {  	s13 =	smul.f32 s9, s31  }
0x22e: {  	v61 =	vsub.f32 v23, v56;
	v57 =	vld [tilespmem:$0x1FFF0];
	s2 =	smul.f32 s2, s10  }
0x22f: {  	v62 =	vsub.f32 v16, v56;
	v63 =	vsub.f32 v17, v56;
	s12 =	ssub.f32 $1.500000000e+00, s13;
	s30 =	spop (v2sf)  }
0x230: {  	v16 =	vsub.f32 v18, v56;
	v4 =	vsub.f32 v20, v56;
	s0 =	smul.f32 $7.812500000e-03, s30  }
0x231: {  	v17 =	vsub.f32 v19, v56;
	v5 =	vsub.f32 v22, v56;
	v3 =	vld [tilespmem:$0x1FFA0];
	v0 =	vmul.f32 s5, v61;
	s9 =	smul.f32 s9, s12  }
0x232: {  	v16 =	vmul.f32 s5, v16;
	v18 =	vmul.f32 s5, v4;
	v4 =	vld [tilespmem:$0x1FFB0];
	v60 =	vadd.f32 v48, v8;
	s12 =	smul.f32 s0, s0;
	s31 =	spop (v2sf)  }
0x233: {  	v61 =	vadd.f32 v49, v9;
	v59 =	vsub.f32 v21, v56;
	v21 =	vmul.f32 v53, v57;
	v53 =	vld [tilespmem:$0x1FF80];
	s13 =	smul.f32 $7.812500000e-03, s31  }
0x234: {  	v17 =	vmul.f32 s5, v17;
	v1 =	vmul.f32 s5, v62;
	v62 =	vadd.f32 v51, v10;
	v56 =	vld [tilespmem:$0x1FF90];
	[tilespmem:s28+$0xFFFFFF80] =	vst v60;
	s30 =	smul.f32 s9, s14  }
0x235: {  	v19 =	vmul.f32 s5, v5;
	v2 =	vmul.f32 s5, v63;
	v63 =	vadd.f32 v50, v11;
	v5 =	vld [tilespmem:$0x1FFC0];
	[tilespmem:s28+$0xFFFFFF90] =	vst v61;
	s12 =	ssub.f32 s13, s12  }
0x236: {  	v54 =	vadd.f32 v54, v12;
	v16 =	vmul.f32 v16, v3;
	[tilespmem:s28+$0xFFFFFFA0] =	vst v62;
	s2 =	ssub.f32 $1.500000000e+00, s2;
	s30 =	smul.f32 s30, s9  }
0x237: {  	v55 =	vadd.f32 v55, v13;
	v0 =	vmul.f32 v0, v57;
	v17 =	vmul.f32 v17, v4;
	v6 =	vld [tilespmem:$0x1FFD0];
	[tilespmem:s28+$0xFFFFFFB0] =	vst v63;
	s12 =	sadd.f32 $9.999999740e-06, s12  }
0x238: {  	v58 =	vadd.f32 v52, v14;
	v16 =	vadd.f32 v16, v10;
	v7 =	vld [tilespmem:$0x1FFE0];
	s10 =	smul.f32 s2, s10;
	s31 =	ssub.f32 $1.500000000e+00, s30  }
0x239: {  	v0 =	vadd.f32 v0, v15;
	v17 =	vadd.f32 v17, v11;
	s13 =	sshra.s32 s12, $0x1;
	s2 =	smul.f32 $5.000000000e-01, s12  }
0x23a: {  	v20 =	vmul.f32 s5, v59;
	v21 =	vadd.f32 v21, v15;
	v50 =	vmov s3;
	s5 =	smul.f32 s31, s9;
	s9 =	ssub.s32 $0x5F3759DF, s13  }
0x23b: {  	v24 =	vsub.f32 v24, v50;
	v1 =	vmul.f32 v1, v53;
	v2 =	vmul.f32 v2, v56;
	s31 =	smul.f32 s9, s2  }
0x23c: {  	v27 =	vsub.f32 v27, v50;
	[tilespmem:s28+$0xFFFFFFC0] =	vst v54;
	v18 =	vmul.f32 v18, v5;
	v19 =	vmul.f32 v19, v6  }
0x23d: {  	v1 =	vadd.f32 v1, v8;
	v2 =	vadd.f32 v2, v9;
	[tilespmem:s28+$0xFFFFFFD0] =	vst v55;
	v20 =	vmul.f32 v20, v7;
	s3 =	smul.f32 s9, s31  }
0x23e: {  	[tilespmem:s28+$0xFFFFFFE0] =	vst v58;
	v18 =	vadd.f32 v18, v12;
	v19 =	vadd.f32 v19, v13;
	v49 =	vmov s0  }
0x23f: {  	[tilespmem:s28+$0xFFFFFFF0] =	vst v21;
	v20 =	vadd.f32 v20, v14;
	v51 =	vsub.f32 v25, v49;
	s3 =	ssub.f32 $1.500000000e+00, s3  }
0x240: {  	[tilespmem:s29+$0x20] =	vst v16;
	v52 =	vsub.f32 v28, v49;
	v16 =	vsub.f32 v32, v49;
	s30 =	smul.f32 s5, s14  }
0x241: {  	[tilespmem:s29+$0x30] =	vst v17;
	v29 =	vsub.f32 v29, v49;
	v17 =	vsub.f32 v30, v49;
	s28 =	smul.f32 s9, s3  }
0x242: {  	v55 =	vsub.f32 v33, v49;
	v59 =	vmul.f32 s10, v39;
	v60 =	vmul.f32 s10, v41;
	s12 =	smul.f32 s30, s5  }
0x243: {  	[tilespmem:s29+$0x70] =	vst v0;
	v33 =	vsub.f32 v36, v49;
	v61 =	vmul.f32 s10, v40;
	v62 =	vmul.f32 s10, v42;
	s30 =	smul.f32 s28, s2  }
0x244: {  	[tilespmem:s29+$0x0] =	vst v1;
	v36 =	vsub.f32 v31, v50;
	v63 =	vmul.f32 s10, v44;
	v0 =	vmul.f32 s10, v43  }
0x245: {  	[tilespmem:s29+$0x10] =	vst v2;
	v41 =	vmul.f32 s10, v46;
	v46 =	vsub.f32 v45, v50;
	v22 =	vmul.f32 v59, v53;
	s0 =	smul.f32 s30, s28  }
0x246: {  	[tilespmem:s29+$0x40] =	vst v18;
	v48 =	vmul.f32 s10, v47;
	v39 =	vsub.f32 v35, v50;
	v23 =	vmul.f32 v60, v56;
	s12 =	ssub.f32 $1.500000000e+00, s12  }
0x247: {  	[tilespmem:s29+$0x50] =	vst v19;
	v40 =	vsub.f32 v37, v50;
	v58 =	vmul.f32 v61, v3;
	v22 =	vadd.f32 v22, v8;
	s0 =	ssub.f32 $1.500000000e+00, s0  }
0x248: {  	[tilespmem:s29+$0x60] =	vst v20;
	v44 =	vsub.f32 v38, v50;
	v60 =	vmul.f32 v62, v4;
	v23 =	vadd.f32 v23, v9;
	s14 =	smul.f32 s12, s5  }
0x249: {  	v59 =	vsub.f32 v34, v49;
	v63 =	vmul.f32 v63, v5;
	v18 =	vadd.f32 v58, v10;
	[tilespmem:s29+$0xFFFFFF80] =	vst v22;
	s0 =	smul.f32 s0, s28  }
0x24a: {  	v61 =	vsub.f32 v26, v50;
	v0 =	vmul.f32 v0, v6;
	v19 =	vadd.f32 v60, v11;
	[tilespmem:s29+$0xFFFFFF90] =	vst v23  }
0x24b: {  	v34 =	vmul.f32 v41, v7;
	v41 =	vadd.f32 v63, v12;
	[tilespmem:s29+$0xFFFFFFA0] =	vst v18;
	v54 =	vmul.f32 s14, v46;
	s2 =	smul.f32 s0, s2  }
0x24c: {  	v1 =	vmul.f32 v48, v57;
	v0 =	vadd.f32 v0, v13;
	[tilespmem:s29+$0xFFFFFFB0] =	vst v19;
	v21 =	vmul.f32 s14, v61  }
0x24d: {  	v26 =	vadd.f32 v34, v14;
	[tilespmem:s29+$0xFFFFFFC0] =	vst v41;
	v42 =	vmul.f32 s14, v24;
	v28 =	vmul.f32 v54, v57;
	s2 =	smul.f32 s2, s0  }
0x24e: {  	v1 =	vadd.f32 v1, v15;
	[tilespmem:s29+$0xFFFFFFD0] =	vst v0;
	v43 =	vmul.f32 s14, v27;
	v21 =	vmul.f32 v21, v53  }
0x24f: {  	[tilespmem:s29+$0xFFFFFFE0] =	vst v26;
	v45 =	vmul.f32 s14, v36;
	v20 =	vmul.f32 v42, v56;
	v62 =	vadd.f32 v28, v15;
	s2 =	ssub.f32 $1.500000000e+00, s2  }
0x250: {  	[tilespmem:s29+$0xFFFFFFF0] =	vst v1;
	v46 =	vmul.f32 s14, v39;
	v47 =	vmul.f32 v43, v3;
	v21 =	vadd.f32 v21, v8  }
0x251: {  	v23 =	vmul.f32 s14, v40;
	v18 =	vmul.f32 v45, v4;
	v20 =	vadd.f32 v20, v9;
	[tilespmem:s4+$0x70] =	vst v62;
	s0 =	smul.f32 s2, s0  }
0x252: {  	v48 =	vmul.f32 s14, v44;
	v0 =	vmul.f32 v46, v5;
	v49 =	vadd.f32 v47, v10;
	[tilespmem:s4+$0x0] =	vst v21  }
0x253: {  	v50 =	vmul.f32 v23, v6;
	v18 =	vadd.f32 v18, v11;
	[tilespmem:s4+$0x10] =	vst v20;
	v2 =	vmul.f32 s0, v51  }
0x254: {  	v1 =	vmul.f32 v48, v7;
	v0 =	vadd.f32 v0, v12;
	[tilespmem:s4+$0x20] =	vst v49;
	v51 =	vmul.f32 s0, v52  }
0x255: {  	[tilespmem:s4+$0x30] =	vst v18;
	v52 =	vadd.f32 v50, v13;
	v16 =	vmul.f32 s0, v16;
	v2 =	vmul.f32 v2, v53  }
0x256: {  	[tilespmem:s4+$0x40] =	vst v0;
	v54 =	vmul.f32 s0, v29;
	v53 =	vadd.f32 v1, v14;
	v19 =	vmul.f32 v51, v56  }
0x257: {  	v17 =	vmul.f32 s0, v17;
	[tilespmem:s4+$0x50] =	vst v52;
	v16 =	vmul.f32 v16, v3;
	v2 =	vadd.f32 v2, v8  }
0x258: {  	v55 =	vmul.f32 s0, v55;
	v1 =	vmul.f32 v54, v4;
	[tilespmem:s4+$0x60] =	vst v53;
	v56 =	vadd.f32 v19, v9  }
0x259: {  	v58 =	vmul.f32 s0, v59;
	v17 =	vmul.f32 v17, v5;
	v59 =	vadd.f32 v16, v10;
	[tilespmem:s4+$0xFFFFFF80] =	vst v2  }
0x25a: {  	v0 =	vmul.f32 v55, v6;
	v16 =	vmul.f32 s0, v33;
	v1 =	vadd.f32 v1, v11;
	[tilespmem:s4+$0xFFFFFF90] =	vst v56  }
0x25b: {  	s25 =	sadd.s32 $0x1, s25;
	v60 =	vmul.f32 v58, v7;
	v61 =	vadd.f32 v17, v12;
	[tilespmem:s4+$0xFFFFFFA0] =	vst v59  }
0x25c: {  	p0 =	sne.s32 s25, $0x19;
	v0 =	vadd.f32 v0, v13;
	v16 =	vmul.f32 v16, v57;
	[tilespmem:s4+$0xFFFFFFB0] =	vst v1  }
.Ltmp2:
0x25d: {  	v62 =	vadd.f32 v60, v14;
	[tilespmem:s4+$0xFFFFFFC0] =	vst v61;
	(pc) =	sbr.rel @p0 .LBB2_2-.Ltmp2, $4  }
0x25e: {  	s31 =	sadd.s32 s7, s26;
	[tilespmem:s4+$0xFFFFFFD0] =	vst v0;
	v63 =	vadd.f32 v16, v15  }
0x25f: {  	s0 =	sshll.u32 s31, $0x4;
	[tilespmem:s4+$0xFFFFFFE0] =	vst v62  }
0x260: {  	s24 =	sadd.s32 $0x100, s24;
	s23 =	sadd.s32 $0x100, s23;
	s0 =	sadd.s32 s6, s0;
	[tilespmem:s4+$0xFFFFFFF0] =	vst v63  }
0x261: {  	[hbm4b:s0+s8] =	stream.linear.scatter [tilespmem:s17], [sflag:$0x4], $0x4000, $0x38;
	[tilespmem:$0xFE00] =	vst v63  }
0x262: {  	_ =	swait.ge [sflag:s21], $0x4000  }
0x263: {  	s22 =	sadd.s32 $0x1, s22;
	s0 =	rddreg [dreg:$0xa]  }
0x264: {  	p0 =	sne.s32 s22, s0  }
.Ltmp3:
0x265: {  	_ = 	snop;
	(pc) =	sbr.rel @p0 .LBB2_1-.Ltmp3, $3  }
0x266: {  	_ =	sdelay $0x1  }
0x267: {  	[sflag:s21] =	ssyncset.done $0x0  }
0x268: {  	[sflag:s21] =	ssyncadd.s32 $0xFFFFC000  }
0x269: {  	_ =	sfence.sel $0x180000  }
0x26a: {  	[bflag:$0x0] =	sbarrier.arrive $0xFFFF  }
0x26b: {  	_ =	strace $0x90000047  }
0x26c: {  	s0 =	stileid.u32;
	[bflag:$0x2] =	sbarrier.arrive $0xFFFF  }
0x26d: {  	p0 =	sne.s32 s0, $0x0;
	s0 =	rddreg [dreg:$0x6]  }
0x26e: {  	s0 =	sadd.s32 @!p0 $0x100000, s0  }
0x26f: {  	[sflag:s0] =	ssyncadd.tile.s32 @!p0 $0x1;
	_ =	shalt  }
.Lfunc_end2:
_tile_overlayer_lowered:
.L_overlay_start_2:
0x270: {  	(tag) =	ssettag $0x2  }
0x271: {  	s0 =	rddreg [dreg:$0x0];
	s2 =	stileid.u32  }
0x272: {  	s1 =	rddreg [dreg:$0x1];
	p0 =	sne.s32 s2, $0x0  }
0x273: {  	s3 =	rddreg [dreg:$0x2];
	[bflag:$0x3] =	sbarrier.arrive $0xFFFF;
	s2 =	simm.s32 @!p0 $0x1C05  }
0x274: {  	[timem:s3], [sflag:s2] =	dma.local @!p0 [hbm:s0], s1  }
0x275: {  	s0 =	simm.s32 @!p0 $0x5  }
0x276: {  	_ =	swait.ge @!p0 [sflag:s0], s1  }
0x277: {  	s1 =	ssub.s32 @!p0 $0x0, s1;
	[sflag:s0] =	ssyncset.done @!p0 $0x0  }
0x278: {  	[sflag:s0] =	ssyncadd.s32 @!p0 s1  }
0x279: {  	[bflag:$0x3] =	sbarrier.arrive $0xFFFF  }
0x27a: {  	_ =	shalt  }

</sc_bundles>
